<compile_context>
chip_gen: v7x
topology: tpu7x:2x2x1
jax: 0.10.2.dev20260603
libtpu: 0.0.44.dev20260713+nightly
codegen_flags: <defaults>
</compile_context>

<pallas_src>
import functools

import jax
import jax.numpy as jnp
from jax import lax
from jax.experimental import pallas as pl
from jax.experimental.pallas import tpu as pltpu
from jax.experimental.pallas import tpu_sc as plsc

N = 10000
E = 320000
D = 128

NC = 2
NS = 16
NW = NC * NS
EPW = E // NW
C = 80
NCHUNK = EPW // C
RPT = N // NS
ZR = 125
CW = 16


def _make_seg_sum(with_counts):
    mesh = plsc.VectorSubcoreMesh(
        core_axis_name="c", subcore_axis_name="s",
        num_cores=NC, num_subcores=NS)

    out_type = [jax.ShapeDtypeStruct((NC * N, D), jnp.float32)]
    scratch = [
        pltpu.VMEM((C,), jnp.int32),
        pltpu.VMEM((C,), jnp.int32),
        pltpu.VMEM((C, D), jnp.float32),
        pltpu.VMEM((ZR, D), jnp.float32),
    ]
    if with_counts:
        out_type.append(jax.ShapeDtypeStruct((NC * N, CW), jnp.float32))
        scratch += [
            pltpu.VMEM((C, CW), jnp.float32),
            pltpu.VMEM((ZR, CW), jnp.float32),
        ]
    scratch.append(pltpu.VMEM_SHARED((N, D), jnp.float32))
    if with_counts:
        scratch.append(pltpu.VMEM_SHARED((N, CW), jnp.float32))
    scratch.append(pltpu.SemaphoreType.DMA)

    def body(*refs):
        if with_counts:
            (table, src, dst, sums_out, cnts_out,
             idx_s, idx_d, rows, zrows, ones, zc, acc, cacc, sem) = refs
        else:
            (table, src, dst, sums_out,
             idx_s, idx_d, rows, zrows, acc, sem) = refs

        core = lax.axis_index("c")
        sid = lax.axis_index("s")
        gw = core * NS + sid

        def zfill(i, _):
            for j in range(D // 16):
                zrows[i, pl.ds(j * 16, 16)] = jnp.zeros((16,), jnp.float32)
            return 0
        lax.fori_loop(0, ZR, zfill, 0)
        if with_counts:
            def zcfill(i, _):
                zc[i, pl.ds(0, CW)] = jnp.zeros((CW,), jnp.float32)
                return 0
            lax.fori_loop(0, ZR, zcfill, 0)

            def onesfill(i, _):
                ones[i, pl.ds(0, CW)] = jnp.ones((CW,), jnp.float32)
                return 0
            lax.fori_loop(0, C, onesfill, 0)

        r0 = sid * RPT
        for i in range(RPT // ZR):
            pltpu.sync_copy(zrows, acc.at[pl.ds(r0 + i * ZR, ZR), :])
            if with_counts:
                pltpu.sync_copy(zc, cacc.at[pl.ds(r0 + i * ZR, ZR), :])
        plsc.subcore_barrier()

        base = gw * EPW

        def edge_step(i, _):
            off = base + i * C
            pltpu.sync_copy(src.at[pl.ds(off, C)], idx_s)
            pltpu.sync_copy(dst.at[pl.ds(off, C)], idx_d)
            pltpu.async_copy(table.at[idx_s], rows, sem).wait()
            pltpu.sync_copy(rows, acc.at[idx_d], add=True)
            if with_counts:
                pltpu.sync_copy(ones, cacc.at[idx_d], add=True)
            return 0
        lax.fori_loop(0, NCHUNK, edge_step, 0)

        plsc.subcore_barrier()

        out0 = core * N + r0
        for i in range(RPT // ZR):
            pltpu.sync_copy(acc.at[pl.ds(r0 + i * ZR, ZR), :], zrows)
            pltpu.sync_copy(zrows, sums_out.at[pl.ds(out0 + i * ZR, ZR), :])
            if with_counts:
                pltpu.sync_copy(cacc.at[pl.ds(r0 + i * ZR, ZR), :], zc)
                pltpu.sync_copy(zc, cnts_out.at[pl.ds(out0 + i * ZR, ZR), :])

    return pl.kernel(body, out_type=out_type, mesh=mesh,
                     scratch_types=scratch,
                     compiler_params=pltpu.CompilerParams(
                         use_tc_tiling_on_sc=False))


_seg_sum_counts = _make_seg_sum(True)
_seg_sum = _make_seg_sum(False)


NB = 400
NGRID = N // NB


def _tc_layer1(sa_ref, sb_ref, ca_ref, cb_ref, x_ref, wl_ref, b_ref, wr_ref,
               out_ref):
    s = sa_ref[...] + sb_ref[...]
    c = ca_ref[...] + cb_ref[...]
    cnt = c[:, 0:1]
    agg = s * (1.0 / jnp.maximum(cnt, 1.0))
    h = (jnp.dot(agg, wl_ref[...], preferred_element_type=jnp.float32)
         + b_ref[...]
         + jnp.dot(x_ref[...], wr_ref[...], preferred_element_type=jnp.float32))
    out_ref[...] = jnp.maximum(h, 0.0)


def _tc_layer2(sa_ref, sb_ref, ca_ref, cb_ref, h1_ref, wl_ref, b2_ref, wr_ref,
               w3_ref, b3_ref, w4_ref, b4_ref, out_ref):
    s = sa_ref[...] + sb_ref[...]
    c = ca_ref[...] + cb_ref[...]
    cnt = c[:, 0:1]
    agg = s * (1.0 / jnp.maximum(cnt, 1.0))
    h = (jnp.dot(agg, wl_ref[...], preferred_element_type=jnp.float32)
         + b2_ref[...]
         + jnp.dot(h1_ref[...], wr_ref[...], preferred_element_type=jnp.float32))
    h = jnp.maximum(h, 0.0)
    nrm = jnp.sqrt(jnp.sum(h * h, axis=1, keepdims=True))
    h = h / jnp.maximum(nrm, 1e-12)
    hid = jnp.maximum(
        jnp.dot(h, w3_ref[...], preferred_element_type=jnp.float32)
        + b3_ref[...], 0.0)
    logits = (jnp.dot(hid, w4_ref[...], preferred_element_type=jnp.float32)
              + b4_ref[...])
    col = lax.broadcasted_iota(jnp.int32, logits.shape, 1)
    logits = jnp.where(col < 4, logits, -1e30)
    m = jnp.max(logits, axis=1, keepdims=True)
    e = jnp.exp(logits - m)
    out_ref[...] = e / jnp.sum(e, axis=1, keepdims=True)


def _row_spec(w):
    return pl.BlockSpec((NB, w), lambda i: (i, 0))


def _row_spec_hi(w):
    return pl.BlockSpec((NB, w), lambda i: (i + NGRID, 0))


def _full_spec(r, c):
    return pl.BlockSpec((r, c), lambda i: (0, 0))


def kernel(x, edge_index, W1l, b1, W1r, W2l, b2, W2r, W3, b3, W4, b4):
    src = edge_index[0]
    dst = edge_index[1]

    sums1, cnts = _seg_sum_counts(x, src, dst)

    h1 = pl.pallas_call(
        _tc_layer1,
        grid=(NGRID,),
        in_specs=[
            _row_spec(D), _row_spec_hi(D),
            _row_spec(CW), _row_spec_hi(CW),
            _row_spec(D),
            _full_spec(D, D), _full_spec(1, D), _full_spec(D, D),
        ],
        out_specs=_row_spec(D),
        out_shape=jax.ShapeDtypeStruct((N, D), jnp.float32),
    )(sums1, sums1, cnts, cnts, x,
      W1l.T, b1.reshape(1, D), W1r.T)

    (sums2,) = _seg_sum(h1, src, dst)

    W4t = jnp.zeros((64, 128), jnp.float32).at[:, :4].set(W4.T)
    b4p = jnp.zeros((1, 128), jnp.float32).at[0, :4].set(b4)

    probs_pad = pl.pallas_call(
        _tc_layer2,
        grid=(NGRID,),
        in_specs=[
            _row_spec(D), _row_spec_hi(D),
            _row_spec(CW), _row_spec_hi(CW),
            _row_spec(D),
            _full_spec(D, D), _full_spec(1, D), _full_spec(D, D),
            _full_spec(D, 64), _full_spec(1, 64),
            _full_spec(64, 128), _full_spec(1, 128),
        ],
        out_specs=_row_spec(128),
        out_shape=jax.ShapeDtypeStruct((N, 128), jnp.float32),
    )(sums2, sums2, cnts, cnts, h1,
      W2l.T, b2.reshape(1, D), W2r.T,
      W3.T, b3.reshape(1, 64), W4t, b4p)

    return probs_pad[:, :4]

# --- scband reference (transcript-rebuilt; emitter-appended) ---
"""Pipeline reference for scband-mecp-gap-model-py-g-51299089384087 (READ-ONLY COPY).

The authoritative reference and input builder live on the scoring server;
editing this copy changes nothing except your own understanding.
"""

import jax, jax.numpy as jnp
import numpy as np

N = 10000
E = 320000
D = 128
H = 128
O = 128
P = 4


def setup_inputs(seed: int = 0) -> dict:
    key = jax.random.key(seed)
    ks = jax.random.split(key, 13)
    x = jax.random.normal(ks[0], (N, D), dtype=jnp.float32)
    edge_index = jax.random.randint(ks[1], (2, E), 0, N, dtype=jnp.int32)
    s_d = 1.0 / np.sqrt(D)
    s_h = 1.0 / np.sqrt(H)
    s_o = 1.0 / np.sqrt(O)
    s_64 = 1.0 / np.sqrt(64)
    return {
        "x": x,
        "edge_index": edge_index,
        "W1l": jax.random.normal(ks[2], (H, D), dtype=jnp.float32) * s_d,
        "b1": jnp.zeros((H,), dtype=jnp.float32),
        "W1r": jax.random.normal(ks[3], (H, D), dtype=jnp.float32) * s_d,
        "W2l": jax.random.normal(ks[4], (O, H), dtype=jnp.float32) * s_h,
        "b2": jnp.zeros((O,), dtype=jnp.float32),
        "W2r": jax.random.normal(ks[5], (O, H), dtype=jnp.float32) * s_h,
        "W3": jax.random.normal(ks[6], (64, O), dtype=jnp.float32) * s_o,
        "b3": jnp.zeros((64,), dtype=jnp.float32),
        "W4": jax.random.normal(ks[7], (P, 64), dtype=jnp.float32) * s_64,
        "b4": jnp.zeros((P,), dtype=jnp.float32),
    }


def _sage_conv(x, edge_index, Wl, bl, Wr):
    # PyG SAGEConv (aggr='mean', root_weight=True, normalize=False):
    #   out = lin_l(mean_{j in N(i)} x_j) + lin_r(x_i)
    src = edge_index[0]
    dst = edge_index[1]
    msgs = jnp.take(x, src, axis=0)
    agg = jax.ops.segment_sum(msgs, dst, num_segments=N)
    cnt = jax.ops.segment_sum(jnp.ones((msgs.shape[0], 1), x.dtype), dst, num_segments=N)
    agg = agg / jnp.maximum(cnt, 1.0)
    return agg @ Wl.T + bl + x @ Wr.T


def reference(x, edge_index, W1l, b1, W1r, W2l, b2, W2r, W3, b3, W4, b4):
    h = _sage_conv(x, edge_index, W1l, b1, W1r)
    h = jax.nn.relu(h)
    h = _sage_conv(h, edge_index, W2l, b2, W2r)
    h = jax.nn.relu(h)
    # F.normalize(h, p=2, dim=1)
    norm = jnp.linalg.norm(h, ord=2, axis=1, keepdims=True)
    h = h / jnp.maximum(norm, 1e-12)
    hid = jax.nn.relu(h @ W3.T + b3)
    logits = hid @ W4.T + b4
    probs = jax.nn.softmax(logits, axis=1)
    return probs

if __name__ == "__main__":
    import jax
    _d = setup_inputs()
    print(jax.jit(kernel)(*tuple(_d.values())))

</pallas_src>

<mosaic_0001>
#map = affine_map<(d0, d1) -> (0, 0)>
#map1 = affine_map<(d0, d1) -> (0)>
module attributes {stable_mosaic.version = 14 : i64} {
  func.func @body(%arg0: i32, %arg1: i32, %arg2: memref<10000x128xf32, #tpu.memory_space<hbm>>, %arg3: memref<320000xi32, #tpu.memory_space<hbm>>, %arg4: memref<320000xi32, #tpu.memory_space<hbm>>, %arg5: memref<20000x128xf32, #tpu.memory_space<hbm>>, %arg6: memref<20000x16xf32, #tpu.memory_space<hbm>>, %arg7: memref<80xi32, #tpu.memory_space<vmem>>, %arg8: memref<80xi32, #tpu.memory_space<vmem>>, %arg9: memref<80x128xf32, #tpu.memory_space<vmem>>, %arg10: memref<125x128xf32, #tpu.memory_space<vmem>>, %arg11: memref<80x16xf32, #tpu.memory_space<vmem>>, %arg12: memref<125x16xf32, #tpu.memory_space<vmem>>, %arg13: memref<10000x128xf32, #tpu.memory_space<vmem_shared>>, %arg14: memref<10000x16xf32, #tpu.memory_space<vmem_shared>>, %arg15: memref<!tpu.dma_semaphore, #tpu.memory_space<semaphore_mem>>) attributes {dimension_semantics = [#tpu.dimension_semantics<core_parallel>, #tpu.dimension_semantics<subcore_parallel>], iteration_bounds = array<i64: 2, 16>, scalar_prefetch = 0 : i64, scratch_operands = 9 : i64, tpu.core_type = #tpu.core_type<sc_vector_subcore>, window_params = [{transform_indices = #map}, {transform_indices = #map1}, {transform_indices = #map1}, {transform_indices = #map}, {transform_indices = #map}]} {
    %mul3A = arith.constant 16 : i32
    %mul3A_0 = arith.muli %arg0, %mul3A : i32
    %add3A = arith.addi %mul3A_0, %arg1 : i32
    %scan3A = arith.constant 0 : i32
    %scan3A_1 = arith.constant 0 : i32
    %scan3A_2 = arith.constant 125 : i32
    %scan3A_3 = arith.addi %scan3A_1, %scan3A_2 : i32
    %scan3A_4 = arith.constant 1 : i32
    %scan3A_5 = scf.for %scan3A_96 = %scan3A_1 to %scan3A_3 step %scan3A_4 iter_args(%scan3A_97 = %scan3A) -> (i32)  : i32 {
      %broadcast_in_dim3A = arith.constant 0.000000e+00 : f32
      %broadcast_in_dim3A_98 = vector.broadcast %broadcast_in_dim3A : f32 to vector<16xf32>
      %swap3A = arith.index_cast %scan3A_96 : i32 to index
      %swap3A_99 = arith.constant 0 : index
      %swap3A_100 = tpu.vector_load %arg10[%swap3A, %swap3A_99] {strides = array<i32>} : memref<125x128xf32, #tpu.memory_space<vmem>>, vector<1x16xf32>,
      %swap3A_101 = vector.shape_cast %swap3A_100 : vector<1x16xf32> to vector<16xf32>
      %swap3A_102 = vector.shape_cast %broadcast_in_dim3A_98 : vector<16xf32> to vector<1x16xf32>
      tpu.vector_store %arg10[%swap3A, %swap3A_99], %swap3A_102 {strides = array<i32>} : memref<125x128xf32, #tpu.memory_space<vmem>>, vector<1x16xf32>,
      %broadcast_in_dim3A_103 = arith.constant 0.000000e+00 : f32
      %broadcast_in_dim3A_104 = vector.broadcast %broadcast_in_dim3A_103 : f32 to vector<16xf32>
      %swap3A_105 = arith.index_cast %scan3A_96 : i32 to index
      %swap3A_106 = arith.constant 16 : index
      %swap3A_107 = tpu.vector_load %arg10[%swap3A_105, %swap3A_106] {strides = array<i32>} : memref<125x128xf32, #tpu.memory_space<vmem>>, vector<1x16xf32>,
      %swap3A_108 = vector.shape_cast %swap3A_107 : vector<1x16xf32> to vector<16xf32>
      %swap3A_109 = vector.shape_cast %broadcast_in_dim3A_104 : vector<16xf32> to vector<1x16xf32>
      tpu.vector_store %arg10[%swap3A_105, %swap3A_106], %swap3A_109 {strides = array<i32>} : memref<125x128xf32, #tpu.memory_space<vmem>>, vector<1x16xf32>,
      %broadcast_in_dim3A_110 = arith.constant 0.000000e+00 : f32
      %broadcast_in_dim3A_111 = vector.broadcast %broadcast_in_dim3A_110 : f32 to vector<16xf32>
      %swap3A_112 = arith.index_cast %scan3A_96 : i32 to index
      %swap3A_113 = arith.constant 32 : index
      %swap3A_114 = tpu.vector_load %arg10[%swap3A_112, %swap3A_113] {strides = array<i32>} : memref<125x128xf32, #tpu.memory_space<vmem>>, vector<1x16xf32>,
      %swap3A_115 = vector.shape_cast %swap3A_114 : vector<1x16xf32> to vector<16xf32>
      %swap3A_116 = vector.shape_cast %broadcast_in_dim3A_111 : vector<16xf32> to vector<1x16xf32>
      tpu.vector_store %arg10[%swap3A_112, %swap3A_113], %swap3A_116 {strides = array<i32>} : memref<125x128xf32, #tpu.memory_space<vmem>>, vector<1x16xf32>,
      %broadcast_in_dim3A_117 = arith.constant 0.000000e+00 : f32
      %broadcast_in_dim3A_118 = vector.broadcast %broadcast_in_dim3A_117 : f32 to vector<16xf32>
      %swap3A_119 = arith.index_cast %scan3A_96 : i32 to index
      %swap3A_120 = arith.constant 48 : index
      %swap3A_121 = tpu.vector_load %arg10[%swap3A_119, %swap3A_120] {strides = array<i32>} : memref<125x128xf32, #tpu.memory_space<vmem>>, vector<1x16xf32>,
      %swap3A_122 = vector.shape_cast %swap3A_121 : vector<1x16xf32> to vector<16xf32>
      %swap3A_123 = vector.shape_cast %broadcast_in_dim3A_118 : vector<16xf32> to vector<1x16xf32>
      tpu.vector_store %arg10[%swap3A_119, %swap3A_120], %swap3A_123 {strides = array<i32>} : memref<125x128xf32, #tpu.memory_space<vmem>>, vector<1x16xf32>,
      %broadcast_in_dim3A_124 = arith.constant 0.000000e+00 : f32
      %broadcast_in_dim3A_125 = vector.broadcast %broadcast_in_dim3A_124 : f32 to vector<16xf32>
      %swap3A_126 = arith.index_cast %scan3A_96 : i32 to index
      %swap3A_127 = arith.constant 64 : index
      %swap3A_128 = tpu.vector_load %arg10[%swap3A_126, %swap3A_127] {strides = array<i32>} : memref<125x128xf32, #tpu.memory_space<vmem>>, vector<1x16xf32>,
      %swap3A_129 = vector.shape_cast %swap3A_128 : vector<1x16xf32> to vector<16xf32>
      %swap3A_130 = vector.shape_cast %broadcast_in_dim3A_125 : vector<16xf32> to vector<1x16xf32>
      tpu.vector_store %arg10[%swap3A_126, %swap3A_127], %swap3A_130 {strides = array<i32>} : memref<125x128xf32, #tpu.memory_space<vmem>>, vector<1x16xf32>,
      %broadcast_in_dim3A_131 = arith.constant 0.000000e+00 : f32
      %broadcast_in_dim3A_132 = vector.broadcast %broadcast_in_dim3A_131 : f32 to vector<16xf32>
      %swap3A_133 = arith.index_cast %scan3A_96 : i32 to index
      %swap3A_134 = arith.constant 80 : index
      %swap3A_135 = tpu.vector_load %arg10[%swap3A_133, %swap3A_134] {strides = array<i32>} : memref<125x128xf32, #tpu.memory_space<vmem>>, vector<1x16xf32>,
      %swap3A_136 = vector.shape_cast %swap3A_135 : vector<1x16xf32> to vector<16xf32>
      %swap3A_137 = vector.shape_cast %broadcast_in_dim3A_132 : vector<16xf32> to vector<1x16xf32>
      tpu.vector_store %arg10[%swap3A_133, %swap3A_134], %swap3A_137 {strides = array<i32>} : memref<125x128xf32, #tpu.memory_space<vmem>>, vector<1x16xf32>,
      %broadcast_in_dim3A_138 = arith.constant 0.000000e+00 : f32
      %broadcast_in_dim3A_139 = vector.broadcast %broadcast_in_dim3A_138 : f32 to vector<16xf32>
      %swap3A_140 = arith.index_cast %scan3A_96 : i32 to index
      %swap3A_141 = arith.constant 96 : index
      %swap3A_142 = tpu.vector_load %arg10[%swap3A_140, %swap3A_141] {strides = array<i32>} : memref<125x128xf32, #tpu.memory_space<vmem>>, vector<1x16xf32>,
      %swap3A_143 = vector.shape_cast %swap3A_142 : vector<1x16xf32> to vector<16xf32>
      %swap3A_144 = vector.shape_cast %broadcast_in_dim3A_139 : vector<16xf32> to vector<1x16xf32>
      tpu.vector_store %arg10[%swap3A_140, %swap3A_141], %swap3A_144 {strides = array<i32>} : memref<125x128xf32, #tpu.memory_space<vmem>>, vector<1x16xf32>,
      %broadcast_in_dim3A_145 = arith.constant 0.000000e+00 : f32
      %broadcast_in_dim3A_146 = vector.broadcast %broadcast_in_dim3A_145 : f32 to vector<16xf32>
      %swap3A_147 = arith.index_cast %scan3A_96 : i32 to index
      %swap3A_148 = arith.constant 112 : index
      %swap3A_149 = tpu.vector_load %arg10[%swap3A_147, %swap3A_148] {strides = array<i32>} : memref<125x128xf32, #tpu.memory_space<vmem>>, vector<1x16xf32>,
      %swap3A_150 = vector.shape_cast %swap3A_149 : vector<1x16xf32> to vector<16xf32>
      %swap3A_151 = vector.shape_cast %broadcast_in_dim3A_146 : vector<16xf32> to vector<1x16xf32>
      tpu.vector_store %arg10[%swap3A_147, %swap3A_148], %swap3A_151 {strides = array<i32>} : memref<125x128xf32, #tpu.memory_space<vmem>>, vector<1x16xf32>,
      %scan3A_152 = arith.constant 0 : i32
      scf.yield %scan3A_152 : i32
    }
    %scan3A_6 = arith.constant 125 : i32
    %scan3A_7 = arith.constant 0 : i32
    %scan3A_8 = arith.constant 0 : i32
    %scan3A_9 = arith.constant 125 : i32
    %scan3A_10 = arith.addi %scan3A_8, %scan3A_9 : i32
    %scan3A_11 = arith.constant 1 : i32
    %scan3A_12 = scf.for %scan3A_96 = %scan3A_8 to %scan3A_10 step %scan3A_11 iter_args(%scan3A_97 = %scan3A_7) -> (i32)  : i32 {
      %broadcast_in_dim3A = arith.constant 0.000000e+00 : f32
      %broadcast_in_dim3A_98 = vector.broadcast %broadcast_in_dim3A : f32 to vector<16xf32>
      %swap3A = arith.index_cast %scan3A_96 : i32 to index
      %swap3A_99 = arith.constant 0 : index
      %swap3A_100 = tpu.vector_load %arg12[%swap3A, %swap3A_99] {strides = array<i32>} : memref<125x16xf32, #tpu.memory_space<vmem>>, vector<1x16xf32>,
      %swap3A_101 = vector.shape_cast %swap3A_100 : vector<1x16xf32> to vector<16xf32>
      %swap3A_102 = vector.shape_cast %broadcast_in_dim3A_98 : vector<16xf32> to vector<1x16xf32>
      tpu.vector_store %arg12[%swap3A, %swap3A_99], %swap3A_102 {strides = array<i32>} : memref<125x16xf32, #tpu.memory_space<vmem>>, vector<1x16xf32>,
      %scan3A_103 = arith.constant 0 : i32
      scf.yield %scan3A_103 : i32
    }
    %scan3A_13 = arith.constant 125 : i32
    %scan3A_14 = arith.constant 0 : i32
    %scan3A_15 = arith.constant 0 : i32
    %scan3A_16 = arith.constant 80 : i32
    %scan3A_17 = arith.addi %scan3A_15, %scan3A_16 : i32
    %scan3A_18 = arith.constant 1 : i32
    %scan3A_19 = scf.for %scan3A_96 = %scan3A_15 to %scan3A_17 step %scan3A_18 iter_args(%scan3A_97 = %scan3A_14) -> (i32)  : i32 {
      %broadcast_in_dim3A = arith.constant 1.000000e+00 : f32
      %broadcast_in_dim3A_98 = vector.broadcast %broadcast_in_dim3A : f32 to vector<16xf32>
      %swap3A = arith.index_cast %scan3A_96 : i32 to index
      %swap3A_99 = arith.constant 0 : index
      %swap3A_100 = tpu.vector_load %arg11[%swap3A, %swap3A_99] {strides = array<i32>} : memref<80x16xf32, #tpu.memory_space<vmem>>, vector<1x16xf32>,
      %swap3A_101 = vector.shape_cast %swap3A_100 : vector<1x16xf32> to vector<16xf32>
      %swap3A_102 = vector.shape_cast %broadcast_in_dim3A_98 : vector<16xf32> to vector<1x16xf32>
      tpu.vector_store %arg11[%swap3A, %swap3A_99], %swap3A_102 {strides = array<i32>} : memref<80x16xf32, #tpu.memory_space<vmem>>, vector<1x16xf32>,
      %scan3A_103 = arith.constant 0 : i32
      scf.yield %scan3A_103 : i32
    }
    %scan3A_20 = arith.constant 80 : i32
    %mul3A_21 = arith.constant 625 : i32
    %mul3A_22 = arith.muli %arg1, %mul3A_21 : i32
    %add3A_23 = arith.constant 0 : i32
    %add3A_24 = arith.addi %mul3A_22, %add3A_23 : i32
    "tpu.region"() ({
      %run_scoped3A = tpu.sem_alloc : memref<!tpu.dma_semaphore, #tpu.memory_space<semaphore_mem>>
      %dma_start3A = arith.constant 0 : i32
      %dma_start3A_96 = tpu.memref_slice %arg13[%add3A_24, %dma_start3A] : memref<10000x128xf32, #tpu.memory_space<vmem_shared>> -> memref<125x128xf32, #tpu.memory_space<vmem_shared>>
      %dma_start3A_97 = arith.constant 0 : i32
      %dma_start3A_98 = tpu.memref_slice %arg13[%add3A_24, %dma_start3A_97] : memref<10000x128xf32, #tpu.memory_space<vmem_shared>> -> memref<125x128xf32, #tpu.memory_space<vmem_shared>>
      tpu.enqueue_dma source(%arg10 : memref<125x128xf32, #tpu.memory_space<vmem>>) target(%dma_start3A_98 : memref<125x128xf32, #tpu.memory_space<vmem_shared>>) target_semaphore(%run_scoped3A : memref<!tpu.dma_semaphore, #tpu.memory_space<semaphore_mem>>)
      %dma_wait3A = arith.constant 0 : i32
      %dma_wait3A_99 = tpu.memref_slice %arg13[%add3A_24, %dma_wait3A] : memref<10000x128xf32, #tpu.memory_space<vmem_shared>> -> memref<125x128xf32, #tpu.memory_space<vmem_shared>>
      %dma_wait3A_100 = arith.constant 0 : i32
      %dma_wait3A_101 = tpu.memref_slice %arg13[%add3A_24, %dma_wait3A_100] : memref<10000x128xf32, #tpu.memory_space<vmem_shared>> -> memref<125x128xf32, #tpu.memory_space<vmem_shared>>
      tpu.wait_dma2 semaphore(%run_scoped3A : memref<!tpu.dma_semaphore, #tpu.memory_space<semaphore_mem>>) src(%arg10 : memref<125x128xf32, #tpu.memory_space<vmem>>) dst(%dma_wait3A_101 : memref<125x128xf32, #tpu.memory_space<vmem_shared>>)
      tpu.yield
    }) : () -> ()
    %add3A_25 = arith.constant 0 : i32
    %add3A_26 = arith.addi %mul3A_22, %add3A_25 : i32
    "tpu.region"() ({
      %run_scoped3A = tpu.sem_alloc : memref<!tpu.dma_semaphore, #tpu.memory_space<semaphore_mem>>
      %dma_start3A = arith.constant 0 : i32
      %dma_start3A_96 = tpu.memref_slice %arg14[%add3A_26, %dma_start3A] : memref<10000x16xf32, #tpu.memory_space<vmem_shared>> -> memref<125x16xf32, #tpu.memory_space<vmem_shared>>
      %dma_start3A_97 = arith.constant 0 : i32
      %dma_start3A_98 = tpu.memref_slice %arg14[%add3A_26, %dma_start3A_97] : memref<10000x16xf32, #tpu.memory_space<vmem_shared>> -> memref<125x16xf32, #tpu.memory_space<vmem_shared>>
      tpu.enqueue_dma source(%arg12 : memref<125x16xf32, #tpu.memory_space<vmem>>) target(%dma_start3A_98 : memref<125x16xf32, #tpu.memory_space<vmem_shared>>) target_semaphore(%run_scoped3A : memref<!tpu.dma_semaphore, #tpu.memory_space<semaphore_mem>>)
      %dma_wait3A = arith.constant 0 : i32
      %dma_wait3A_99 = tpu.memref_slice %arg14[%add3A_26, %dma_wait3A] : memref<10000x16xf32, #tpu.memory_space<vmem_shared>> -> memref<125x16xf32, #tpu.memory_space<vmem_shared>>
      %dma_wait3A_100 = arith.constant 0 : i32
      %dma_wait3A_101 = tpu.memref_slice %arg14[%add3A_26, %dma_wait3A_100] : memref<10000x16xf32, #tpu.memory_space<vmem_shared>> -> memref<125x16xf32, #tpu.memory_space<vmem_shared>>
      tpu.wait_dma2 semaphore(%run_scoped3A : memref<!tpu.dma_semaphore, #tpu.memory_space<semaphore_mem>>) src(%arg12 : memref<125x16xf32, #tpu.memory_space<vmem>>) dst(%dma_wait3A_101 : memref<125x16xf32, #tpu.memory_space<vmem_shared>>)
      tpu.yield
    }) : () -> ()
    %add3A_27 = arith.constant 125 : i32
    %add3A_28 = arith.addi %mul3A_22, %add3A_27 : i32
    "tpu.region"() ({
      %run_scoped3A = tpu.sem_alloc : memref<!tpu.dma_semaphore, #tpu.memory_space<semaphore_mem>>
      %dma_start3A = arith.constant 0 : i32
      %dma_start3A_96 = tpu.memref_slice %arg13[%add3A_28, %dma_start3A] : memref<10000x128xf32, #tpu.memory_space<vmem_shared>> -> memref<125x128xf32, #tpu.memory_space<vmem_shared>>
      %dma_start3A_97 = arith.constant 0 : i32
      %dma_start3A_98 = tpu.memref_slice %arg13[%add3A_28, %dma_start3A_97] : memref<10000x128xf32, #tpu.memory_space<vmem_shared>> -> memref<125x128xf32, #tpu.memory_space<vmem_shared>>
      tpu.enqueue_dma source(%arg10 : memref<125x128xf32, #tpu.memory_space<vmem>>) target(%dma_start3A_98 : memref<125x128xf32, #tpu.memory_space<vmem_shared>>) target_semaphore(%run_scoped3A : memref<!tpu.dma_semaphore, #tpu.memory_space<semaphore_mem>>)
      %dma_wait3A = arith.constant 0 : i32
      %dma_wait3A_99 = tpu.memref_slice %arg13[%add3A_28, %dma_wait3A] : memref<10000x128xf32, #tpu.memory_space<vmem_shared>> -> memref<125x128xf32, #tpu.memory_space<vmem_shared>>
      %dma_wait3A_100 = arith.constant 0 : i32
      %dma_wait3A_101 = tpu.memref_slice %arg13[%add3A_28, %dma_wait3A_100] : memref<10000x128xf32, #tpu.memory_space<vmem_shared>> -> memref<125x128xf32, #tpu.memory_space<vmem_shared>>
      tpu.wait_dma2 semaphore(%run_scoped3A : memref<!tpu.dma_semaphore, #tpu.memory_space<semaphore_mem>>) src(%arg10 : memref<125x128xf32, #tpu.memory_space<vmem>>) dst(%dma_wait3A_101 : memref<125x128xf32, #tpu.memory_space<vmem_shared>>)
      tpu.yield
    }) : () -> ()
    %add3A_29 = arith.constant 125 : i32
    %add3A_30 = arith.addi %mul3A_22, %add3A_29 : i32
    "tpu.region"() ({
      %run_scoped3A = tpu.sem_alloc : memref<!tpu.dma_semaphore, #tpu.memory_space<semaphore_mem>>
      %dma_start3A = arith.constant 0 : i32
      %dma_start3A_96 = tpu.memref_slice %arg14[%add3A_30, %dma_start3A] : memref<10000x16xf32, #tpu.memory_space<vmem_shared>> -> memref<125x16xf32, #tpu.memory_space<vmem_shared>>
      %dma_start3A_97 = arith.constant 0 : i32
      %dma_start3A_98 = tpu.memref_slice %arg14[%add3A_30, %dma_start3A_97] : memref<10000x16xf32, #tpu.memory_space<vmem_shared>> -> memref<125x16xf32, #tpu.memory_space<vmem_shared>>
      tpu.enqueue_dma source(%arg12 : memref<125x16xf32, #tpu.memory_space<vmem>>) target(%dma_start3A_98 : memref<125x16xf32, #tpu.memory_space<vmem_shared>>) target_semaphore(%run_scoped3A : memref<!tpu.dma_semaphore, #tpu.memory_space<semaphore_mem>>)
      %dma_wait3A = arith.constant 0 : i32
      %dma_wait3A_99 = tpu.memref_slice %arg14[%add3A_30, %dma_wait3A] : memref<10000x16xf32, #tpu.memory_space<vmem_shared>> -> memref<125x16xf32, #tpu.memory_space<vmem_shared>>
      %dma_wait3A_100 = arith.constant 0 : i32
      %dma_wait3A_101 = tpu.memref_slice %arg14[%add3A_30, %dma_wait3A_100] : memref<10000x16xf32, #tpu.memory_space<vmem_shared>> -> memref<125x16xf32, #tpu.memory_space<vmem_shared>>
      tpu.wait_dma2 semaphore(%run_scoped3A : memref<!tpu.dma_semaphore, #tpu.memory_space<semaphore_mem>>) src(%arg12 : memref<125x16xf32, #tpu.memory_space<vmem>>) dst(%dma_wait3A_101 : memref<125x16xf32, #tpu.memory_space<vmem_shared>>)
      tpu.yield
    }) : () -> ()
    %add3A_31 = arith.constant 250 : i32
    %add3A_32 = arith.addi %mul3A_22, %add3A_31 : i32
    "tpu.region"() ({
      %run_scoped3A = tpu.sem_alloc : memref<!tpu.dma_semaphore, #tpu.memory_space<semaphore_mem>>
      %dma_start3A = arith.constant 0 : i32
      %dma_start3A_96 = tpu.memref_slice %arg13[%add3A_32, %dma_start3A] : memref<10000x128xf32, #tpu.memory_space<vmem_shared>> -> memref<125x128xf32, #tpu.memory_space<vmem_shared>>
      %dma_start3A_97 = arith.constant 0 : i32
      %dma_start3A_98 = tpu.memref_slice %arg13[%add3A_32, %dma_start3A_97] : memref<10000x128xf32, #tpu.memory_space<vmem_shared>> -> memref<125x128xf32, #tpu.memory_space<vmem_shared>>
      tpu.enqueue_dma source(%arg10 : memref<125x128xf32, #tpu.memory_space<vmem>>) target(%dma_start3A_98 : memref<125x128xf32, #tpu.memory_space<vmem_shared>>) target_semaphore(%run_scoped3A : memref<!tpu.dma_semaphore, #tpu.memory_space<semaphore_mem>>)
      %dma_wait3A = arith.constant 0 : i32
      %dma_wait3A_99 = tpu.memref_slice %arg13[%add3A_32, %dma_wait3A] : memref<10000x128xf32, #tpu.memory_space<vmem_shared>> -> memref<125x128xf32, #tpu.memory_space<vmem_shared>>
      %dma_wait3A_100 = arith.constant 0 : i32
      %dma_wait3A_101 = tpu.memref_slice %arg13[%add3A_32, %dma_wait3A_100] : memref<10000x128xf32, #tpu.memory_space<vmem_shared>> -> memref<125x128xf32, #tpu.memory_space<vmem_shared>>
      tpu.wait_dma2 semaphore(%run_scoped3A : memref<!tpu.dma_semaphore, #tpu.memory_space<semaphore_mem>>) src(%arg10 : memref<125x128xf32, #tpu.memory_space<vmem>>) dst(%dma_wait3A_101 : memref<125x128xf32, #tpu.memory_space<vmem_shared>>)
      tpu.yield
    }) : () -> ()
    %add3A_33 = arith.constant 250 : i32
    %add3A_34 = arith.addi %mul3A_22, %add3A_33 : i32
    "tpu.region"() ({
      %run_scoped3A = tpu.sem_alloc : memref<!tpu.dma_semaphore, #tpu.memory_space<semaphore_mem>>
      %dma_start3A = arith.constant 0 : i32
      %dma_start3A_96 = tpu.memref_slice %arg14[%add3A_34, %dma_start3A] : memref<10000x16xf32, #tpu.memory_space<vmem_shared>> -> memref<125x16xf32, #tpu.memory_space<vmem_shared>>
      %dma_start3A_97 = arith.constant 0 : i32
      %dma_start3A_98 = tpu.memref_slice %arg14[%add3A_34, %dma_start3A_97] : memref<10000x16xf32, #tpu.memory_space<vmem_shared>> -> memref<125x16xf32, #tpu.memory_space<vmem_shared>>
      tpu.enqueue_dma source(%arg12 : memref<125x16xf32, #tpu.memory_space<vmem>>) target(%dma_start3A_98 : memref<125x16xf32, #tpu.memory_space<vmem_shared>>) target_semaphore(%run_scoped3A : memref<!tpu.dma_semaphore, #tpu.memory_space<semaphore_mem>>)
      %dma_wait3A = arith.constant 0 : i32
      %dma_wait3A_99 = tpu.memref_slice %arg14[%add3A_34, %dma_wait3A] : memref<10000x16xf32, #tpu.memory_space<vmem_shared>> -> memref<125x16xf32, #tpu.memory_space<vmem_shared>>
      %dma_wait3A_100 = arith.constant 0 : i32
      %dma_wait3A_101 = tpu.memref_slice %arg14[%add3A_34, %dma_wait3A_100] : memref<10000x16xf32, #tpu.memory_space<vmem_shared>> -> memref<125x16xf32, #tpu.memory_space<vmem_shared>>
      tpu.wait_dma2 semaphore(%run_scoped3A : memref<!tpu.dma_semaphore, #tpu.memory_space<semaphore_mem>>) src(%arg12 : memref<125x16xf32, #tpu.memory_space<vmem>>) dst(%dma_wait3A_101 : memref<125x16xf32, #tpu.memory_space<vmem_shared>>)
      tpu.yield
    }) : () -> ()
    %add3A_35 = arith.constant 375 : i32
    %add3A_36 = arith.addi %mul3A_22, %add3A_35 : i32
    "tpu.region"() ({
      %run_scoped3A = tpu.sem_alloc : memref<!tpu.dma_semaphore, #tpu.memory_space<semaphore_mem>>
      %dma_start3A = arith.constant 0 : i32
      %dma_start3A_96 = tpu.memref_slice %arg13[%add3A_36, %dma_start3A] : memref<10000x128xf32, #tpu.memory_space<vmem_shared>> -> memref<125x128xf32, #tpu.memory_space<vmem_shared>>
      %dma_start3A_97 = arith.constant 0 : i32
      %dma_start3A_98 = tpu.memref_slice %arg13[%add3A_36, %dma_start3A_97] : memref<10000x128xf32, #tpu.memory_space<vmem_shared>> -> memref<125x128xf32, #tpu.memory_space<vmem_shared>>
      tpu.enqueue_dma source(%arg10 : memref<125x128xf32, #tpu.memory_space<vmem>>) target(%dma_start3A_98 : memref<125x128xf32, #tpu.memory_space<vmem_shared>>) target_semaphore(%run_scoped3A : memref<!tpu.dma_semaphore, #tpu.memory_space<semaphore_mem>>)
      %dma_wait3A = arith.constant 0 : i32
      %dma_wait3A_99 = tpu.memref_slice %arg13[%add3A_36, %dma_wait3A] : memref<10000x128xf32, #tpu.memory_space<vmem_shared>> -> memref<125x128xf32, #tpu.memory_space<vmem_shared>>
      %dma_wait3A_100 = arith.constant 0 : i32
      %dma_wait3A_101 = tpu.memref_slice %arg13[%add3A_36, %dma_wait3A_100] : memref<10000x128xf32, #tpu.memory_space<vmem_shared>> -> memref<125x128xf32, #tpu.memory_space<vmem_shared>>
      tpu.wait_dma2 semaphore(%run_scoped3A : memref<!tpu.dma_semaphore, #tpu.memory_space<semaphore_mem>>) src(%arg10 : memref<125x128xf32, #tpu.memory_space<vmem>>) dst(%dma_wait3A_101 : memref<125x128xf32, #tpu.memory_space<vmem_shared>>)
      tpu.yield
    }) : () -> ()
    %add3A_37 = arith.constant 375 : i32
    %add3A_38 = arith.addi %mul3A_22, %add3A_37 : i32
    "tpu.region"() ({
      %run_scoped3A = tpu.sem_alloc : memref<!tpu.dma_semaphore, #tpu.memory_space<semaphore_mem>>
      %dma_start3A = arith.constant 0 : i32
      %dma_start3A_96 = tpu.memref_slice %arg14[%add3A_38, %dma_start3A] : memref<10000x16xf32, #tpu.memory_space<vmem_shared>> -> memref<125x16xf32, #tpu.memory_space<vmem_shared>>
      %dma_start3A_97 = arith.constant 0 : i32
      %dma_start3A_98 = tpu.memref_slice %arg14[%add3A_38, %dma_start3A_97] : memref<10000x16xf32, #tpu.memory_space<vmem_shared>> -> memref<125x16xf32, #tpu.memory_space<vmem_shared>>
      tpu.enqueue_dma source(%arg12 : memref<125x16xf32, #tpu.memory_space<vmem>>) target(%dma_start3A_98 : memref<125x16xf32, #tpu.memory_space<vmem_shared>>) target_semaphore(%run_scoped3A : memref<!tpu.dma_semaphore, #tpu.memory_space<semaphore_mem>>)
      %dma_wait3A = arith.constant 0 : i32
      %dma_wait3A_99 = tpu.memref_slice %arg14[%add3A_38, %dma_wait3A] : memref<10000x16xf32, #tpu.memory_space<vmem_shared>> -> memref<125x16xf32, #tpu.memory_space<vmem_shared>>
      %dma_wait3A_100 = arith.constant 0 : i32
      %dma_wait3A_101 = tpu.memref_slice %arg14[%add3A_38, %dma_wait3A_100] : memref<10000x16xf32, #tpu.memory_space<vmem_shared>> -> memref<125x16xf32, #tpu.memory_space<vmem_shared>>
      tpu.wait_dma2 semaphore(%run_scoped3A : memref<!tpu.dma_semaphore, #tpu.memory_space<semaphore_mem>>) src(%arg12 : memref<125x16xf32, #tpu.memory_space<vmem>>) dst(%dma_wait3A_101 : memref<125x16xf32, #tpu.memory_space<vmem_shared>>)
      tpu.yield
    }) : () -> ()
    %add3A_39 = arith.constant 500 : i32
    %add3A_40 = arith.addi %mul3A_22, %add3A_39 : i32
    "tpu.region"() ({
      %run_scoped3A = tpu.sem_alloc : memref<!tpu.dma_semaphore, #tpu.memory_space<semaphore_mem>>
      %dma_start3A = arith.constant 0 : i32
      %dma_start3A_96 = tpu.memref_slice %arg13[%add3A_40, %dma_start3A] : memref<10000x128xf32, #tpu.memory_space<vmem_shared>> -> memref<125x128xf32, #tpu.memory_space<vmem_shared>>
      %dma_start3A_97 = arith.constant 0 : i32
      %dma_start3A_98 = tpu.memref_slice %arg13[%add3A_40, %dma_start3A_97] : memref<10000x128xf32, #tpu.memory_space<vmem_shared>> -> memref<125x128xf32, #tpu.memory_space<vmem_shared>>
      tpu.enqueue_dma source(%arg10 : memref<125x128xf32, #tpu.memory_space<vmem>>) target(%dma_start3A_98 : memref<125x128xf32, #tpu.memory_space<vmem_shared>>) target_semaphore(%run_scoped3A : memref<!tpu.dma_semaphore, #tpu.memory_space<semaphore_mem>>)
      %dma_wait3A = arith.constant 0 : i32
      %dma_wait3A_99 = tpu.memref_slice %arg13[%add3A_40, %dma_wait3A] : memref<10000x128xf32, #tpu.memory_space<vmem_shared>> -> memref<125x128xf32, #tpu.memory_space<vmem_shared>>
      %dma_wait3A_100 = arith.constant 0 : i32
      %dma_wait3A_101 = tpu.memref_slice %arg13[%add3A_40, %dma_wait3A_100] : memref<10000x128xf32, #tpu.memory_space<vmem_shared>> -> memref<125x128xf32, #tpu.memory_space<vmem_shared>>
      tpu.wait_dma2 semaphore(%run_scoped3A : memref<!tpu.dma_semaphore, #tpu.memory_space<semaphore_mem>>) src(%arg10 : memref<125x128xf32, #tpu.memory_space<vmem>>) dst(%dma_wait3A_101 : memref<125x128xf32, #tpu.memory_space<vmem_shared>>)
      tpu.yield
    }) : () -> ()
    %add3A_41 = arith.constant 500 : i32
    %add3A_42 = arith.addi %mul3A_22, %add3A_41 : i32
    "tpu.region"() ({
      %run_scoped3A = tpu.sem_alloc : memref<!tpu.dma_semaphore, #tpu.memory_space<semaphore_mem>>
      %dma_start3A = arith.constant 0 : i32
      %dma_start3A_96 = tpu.memref_slice %arg14[%add3A_42, %dma_start3A] : memref<10000x16xf32, #tpu.memory_space<vmem_shared>> -> memref<125x16xf32, #tpu.memory_space<vmem_shared>>
      %dma_start3A_97 = arith.constant 0 : i32
      %dma_start3A_98 = tpu.memref_slice %arg14[%add3A_42, %dma_start3A_97] : memref<10000x16xf32, #tpu.memory_space<vmem_shared>> -> memref<125x16xf32, #tpu.memory_space<vmem_shared>>
      tpu.enqueue_dma source(%arg12 : memref<125x16xf32, #tpu.memory_space<vmem>>) target(%dma_start3A_98 : memref<125x16xf32, #tpu.memory_space<vmem_shared>>) target_semaphore(%run_scoped3A : memref<!tpu.dma_semaphore, #tpu.memory_space<semaphore_mem>>)
      %dma_wait3A = arith.constant 0 : i32
      %dma_wait3A_99 = tpu.memref_slice %arg14[%add3A_42, %dma_wait3A] : memref<10000x16xf32, #tpu.memory_space<vmem_shared>> -> memref<125x16xf32, #tpu.memory_space<vmem_shared>>
      %dma_wait3A_100 = arith.constant 0 : i32
      %dma_wait3A_101 = tpu.memref_slice %arg14[%add3A_42, %dma_wait3A_100] : memref<10000x16xf32, #tpu.memory_space<vmem_shared>> -> memref<125x16xf32, #tpu.memory_space<vmem_shared>>
      tpu.wait_dma2 semaphore(%run_scoped3A : memref<!tpu.dma_semaphore, #tpu.memory_space<semaphore_mem>>) src(%arg12 : memref<125x16xf32, #tpu.memory_space<vmem>>) dst(%dma_wait3A_101 : memref<125x16xf32, #tpu.memory_space<vmem_shared>>)
      tpu.yield
    }) : () -> ()
    %barrier3A = arith.constant 0 : index
    tpu.barrier barrier_id(%barrier3A)
    %mul3A_43 = arith.constant 10000 : i32
    %mul3A_44 = arith.muli %add3A, %mul3A_43 : i32
    %scan3A_45 = arith.constant 0 : i32
    %scan3A_46 = arith.constant 0 : i32
    %scan3A_47 = arith.constant 125 : i32
    %scan3A_48 = arith.addi %scan3A_46, %scan3A_47 : i32
    %scan3A_49 = arith.constant 1 : i32
    %scan3A_50 = scf.for %scan3A_96 = %scan3A_46 to %scan3A_48 step %scan3A_49 iter_args(%scan3A_97 = %scan3A_45) -> (i32)  : i32 {
      %mul3A_98 = arith.constant 80 : i32
      %mul3A_99 = arith.muli %scan3A_96, %mul3A_98 : i32
      %add3A_100 = arith.addi %mul3A_44, %mul3A_99 : i32
      "tpu.region"() ({
        %run_scoped3A = tpu.sem_alloc : memref<!tpu.dma_semaphore, #tpu.memory_space<semaphore_mem>>
        %dma_start3A_106 = tpu.memref_slice %arg3[%add3A_100] : memref<320000xi32, #tpu.memory_space<hbm>> -> memref<80xi32, #tpu.memory_space<hbm>>
        %dma_start3A_107 = tpu.memref_slice %arg3[%add3A_100] : memref<320000xi32, #tpu.memory_space<hbm>> -> memref<80xi32, #tpu.memory_space<hbm>>
        tpu.enqueue_dma source(%dma_start3A_107 : memref<80xi32, #tpu.memory_space<hbm>>) target(%arg7 : memref<80xi32, #tpu.memory_space<vmem>>) target_semaphore(%run_scoped3A : memref<!tpu.dma_semaphore, #tpu.memory_space<semaphore_mem>>)
        %dma_wait3A_108 = tpu.memref_slice %arg3[%add3A_100] : memref<320000xi32, #tpu.memory_space<hbm>> -> memref<80xi32, #tpu.memory_space<hbm>>
        %dma_wait3A_109 = tpu.memref_slice %arg3[%add3A_100] : memref<320000xi32, #tpu.memory_space<hbm>> -> memref<80xi32, #tpu.memory_space<hbm>>
        tpu.wait_dma2 semaphore(%run_scoped3A : memref<!tpu.dma_semaphore, #tpu.memory_space<semaphore_mem>>) src(%dma_wait3A_109 : memref<80xi32, #tpu.memory_space<hbm>>) dst(%arg7 : memref<80xi32, #tpu.memory_space<vmem>>)
        tpu.yield
      }) : () -> ()
      "tpu.region"() ({
        %run_scoped3A = tpu.sem_alloc : memref<!tpu.dma_semaphore, #tpu.memory_space<semaphore_mem>>
        %dma_start3A_106 = tpu.memref_slice %arg4[%add3A_100] : memref<320000xi32, #tpu.memory_space<hbm>> -> memref<80xi32, #tpu.memory_space<hbm>>
        %dma_start3A_107 = tpu.memref_slice %arg4[%add3A_100] : memref<320000xi32, #tpu.memory_space<hbm>> -> memref<80xi32, #tpu.memory_space<hbm>>
        tpu.enqueue_dma source(%dma_start3A_107 : memref<80xi32, #tpu.memory_space<hbm>>) target(%arg8 : memref<80xi32, #tpu.memory_space<vmem>>) target_semaphore(%run_scoped3A : memref<!tpu.dma_semaphore, #tpu.memory_space<semaphore_mem>>)
        %dma_wait3A_108 = tpu.memref_slice %arg4[%add3A_100] : memref<320000xi32, #tpu.memory_space<hbm>> -> memref<80xi32, #tpu.memory_space<hbm>>
        %dma_wait3A_109 = tpu.memref_slice %arg4[%add3A_100] : memref<320000xi32, #tpu.memory_space<hbm>> -> memref<80xi32, #tpu.memory_space<hbm>>
        tpu.wait_dma2 semaphore(%run_scoped3A : memref<!tpu.dma_semaphore, #tpu.memory_space<semaphore_mem>>) src(%dma_wait3A_109 : memref<80xi32, #tpu.memory_space<hbm>>) dst(%arg8 : memref<80xi32, #tpu.memory_space<vmem>>)
        tpu.yield
      }) : () -> ()
      %dma_start3A = arith.constant 0 : i32
      %dma_start3A_101 = arith.constant 0 : i32
      %dma_start3A_102 = tpu.memref_slice %arg2[%dma_start3A, %dma_start3A_101] : memref<10000x128xf32, #tpu.memory_space<hbm>> -> memref<10000x128xf32, #tpu.memory_space<hbm>>
      tpu.enqueue_indirect_dma source(%dma_start3A_102 : memref<10000x128xf32, #tpu.memory_space<hbm>>) target(%arg9 : memref<80x128xf32, #tpu.memory_space<vmem>>) offsets(%arg7 : memref<80xi32, #tpu.memory_space<vmem>>) semaphore(%arg15 : memref<!tpu.dma_semaphore, #tpu.memory_space<semaphore_mem>>)
      %dma_wait3A = arith.constant 0 : i32
      %dma_wait3A_103 = arith.constant 0 : i32
      %dma_wait3A_104 = tpu.memref_slice %arg2[%dma_wait3A, %dma_wait3A_103] : memref<10000x128xf32, #tpu.memory_space<hbm>> -> memref<10000x128xf32, #tpu.memory_space<hbm>>
      tpu.wait_indirect_dma semaphore(%arg15 : memref<!tpu.dma_semaphore, #tpu.memory_space<semaphore_mem>>) src(%dma_wait3A_104 : memref<10000x128xf32, #tpu.memory_space<hbm>>) dst(%arg9 : memref<80x128xf32, #tpu.memory_space<vmem>>)
      "tpu.region"() ({
        %run_scoped3A = tpu.sem_alloc : memref<!tpu.dma_semaphore, #tpu.memory_space<semaphore_mem>>
        %dma_start3A_106 = arith.constant 0 : i32
        %dma_start3A_107 = arith.constant 0 : i32
        %dma_start3A_108 = tpu.memref_slice %arg13[%dma_start3A_106, %dma_start3A_107] : memref<10000x128xf32, #tpu.memory_space<vmem_shared>> -> memref<10000x128xf32, #tpu.memory_space<vmem_shared>>
        tpu.enqueue_indirect_dma source(%arg9 : memref<80x128xf32, #tpu.memory_space<vmem>>) target(%dma_start3A_108 : memref<10000x128xf32, #tpu.memory_space<vmem_shared>>) offsets(%arg8 : memref<80xi32, #tpu.memory_space<vmem>>) semaphore(%run_scoped3A : memref<!tpu.dma_semaphore, #tpu.memory_space<semaphore_mem>>) {add = true}
        %dma_wait3A_109 = arith.constant 0 : i32
        %dma_wait3A_110 = arith.constant 0 : i32
        %dma_wait3A_111 = tpu.memref_slice %arg13[%dma_wait3A_109, %dma_wait3A_110] : memref<10000x128xf32, #tpu.memory_space<vmem_shared>> -> memref<10000x128xf32, #tpu.memory_space<vmem_shared>>
        tpu.wait_indirect_dma semaphore(%run_scoped3A : memref<!tpu.dma_semaphore, #tpu.memory_space<semaphore_mem>>) src(%arg9 : memref<80x128xf32, #tpu.memory_space<vmem>>) dst(%dma_wait3A_111 : memref<10000x128xf32, #tpu.memory_space<vmem_shared>>)
        tpu.yield
      }) : () -> ()
      "tpu.region"() ({
        %run_scoped3A = tpu.sem_alloc : memref<!tpu.dma_semaphore, #tpu.memory_space<semaphore_mem>>
        %dma_start3A_106 = arith.constant 0 : i32
        %dma_start3A_107 = arith.constant 0 : i32
        %dma_start3A_108 = tpu.memref_slice %arg14[%dma_start3A_106, %dma_start3A_107] : memref<10000x16xf32, #tpu.memory_space<vmem_shared>> -> memref<10000x16xf32, #tpu.memory_space<vmem_shared>>
        tpu.enqueue_indirect_dma source(%arg11 : memref<80x16xf32, #tpu.memory_space<vmem>>) target(%dma_start3A_108 : memref<10000x16xf32, #tpu.memory_space<vmem_shared>>) offsets(%arg8 : memref<80xi32, #tpu.memory_space<vmem>>) semaphore(%run_scoped3A : memref<!tpu.dma_semaphore, #tpu.memory_space<semaphore_mem>>) {add = true}
        %dma_wait3A_109 = arith.constant 0 : i32
        %dma_wait3A_110 = arith.constant 0 : i32
        %dma_wait3A_111 = tpu.memref_slice %arg14[%dma_wait3A_109, %dma_wait3A_110] : memref<10000x16xf32, #tpu.memory_space<vmem_shared>> -> memref<10000x16xf32, #tpu.memory_space<vmem_shared>>
        tpu.wait_indirect_dma semaphore(%run_scoped3A : memref<!tpu.dma_semaphore, #tpu.memory_space<semaphore_mem>>) src(%arg11 : memref<80x16xf32, #tpu.memory_space<vmem>>) dst(%dma_wait3A_111 : memref<10000x16xf32, #tpu.memory_space<vmem_shared>>)
        tpu.yield
      }) : () -> ()
      %scan3A_105 = arith.constant 0 : i32
      scf.yield %scan3A_105 : i32
    }
    %scan3A_51 = arith.constant 125 : i32
    %barrier3A_52 = arith.constant 0 : index
    tpu.barrier barrier_id(%barrier3A_52)
    %mul3A_53 = arith.constant 10000 : i32
    %mul3A_54 = arith.muli %arg0, %mul3A_53 : i32
    %add3A_55 = arith.addi %mul3A_54, %mul3A_22 : i32
    %add3A_56 = arith.constant 0 : i32
    %add3A_57 = arith.addi %mul3A_22, %add3A_56 : i32
    "tpu.region"() ({
      %run_scoped3A = tpu.sem_alloc : memref<!tpu.dma_semaphore, #tpu.memory_space<semaphore_mem>>
      %dma_start3A = arith.constant 0 : i32
      %dma_start3A_96 = tpu.memref_slice %arg13[%add3A_57, %dma_start3A] : memref<10000x128xf32, #tpu.memory_space<vmem_shared>> -> memref<125x128xf32, #tpu.memory_space<vmem_shared>>
      %dma_start3A_97 = arith.constant 0 : i32
      %dma_start3A_98 = tpu.memref_slice %arg13[%add3A_57, %dma_start3A_97] : memref<10000x128xf32, #tpu.memory_space<vmem_shared>> -> memref<125x128xf32, #tpu.memory_space<vmem_shared>>
      tpu.enqueue_dma source(%dma_start3A_98 : memref<125x128xf32, #tpu.memory_space<vmem_shared>>) target(%arg10 : memref<125x128xf32, #tpu.memory_space<vmem>>) target_semaphore(%run_scoped3A : memref<!tpu.dma_semaphore, #tpu.memory_space<semaphore_mem>>)
      %dma_wait3A = arith.constant 0 : i32
      %dma_wait3A_99 = tpu.memref_slice %arg13[%add3A_57, %dma_wait3A] : memref<10000x128xf32, #tpu.memory_space<vmem_shared>> -> memref<125x128xf32, #tpu.memory_space<vmem_shared>>
      %dma_wait3A_100 = arith.constant 0 : i32
      %dma_wait3A_101 = tpu.memref_slice %arg13[%add3A_57, %dma_wait3A_100] : memref<10000x128xf32, #tpu.memory_space<vmem_shared>> -> memref<125x128xf32, #tpu.memory_space<vmem_shared>>
      tpu.wait_dma2 semaphore(%run_scoped3A : memref<!tpu.dma_semaphore, #tpu.memory_space<semaphore_mem>>) src(%dma_wait3A_101 : memref<125x128xf32, #tpu.memory_space<vmem_shared>>) dst(%arg10 : memref<125x128xf32, #tpu.memory_space<vmem>>)
      tpu.yield
    }) : () -> ()
    %add3A_58 = arith.constant 0 : i32
    %add3A_59 = arith.addi %add3A_55, %add3A_58 : i32
    "tpu.region"() ({
      %run_scoped3A = tpu.sem_alloc : memref<!tpu.dma_semaphore, #tpu.memory_space<semaphore_mem>>
      %dma_start3A = arith.constant 0 : i32
      %dma_start3A_96 = tpu.memref_slice %arg5[%add3A_59, %dma_start3A] : memref<20000x128xf32, #tpu.memory_space<hbm>> -> memref<125x128xf32, #tpu.memory_space<hbm>>
      %dma_start3A_97 = arith.constant 0 : i32
      %dma_start3A_98 = tpu.memref_slice %arg5[%add3A_59, %dma_start3A_97] : memref<20000x128xf32, #tpu.memory_space<hbm>> -> memref<125x128xf32, #tpu.memory_space<hbm>>
      tpu.enqueue_dma source(%arg10 : memref<125x128xf32, #tpu.memory_space<vmem>>) target(%dma_start3A_98 : memref<125x128xf32, #tpu.memory_space<hbm>>) target_semaphore(%run_scoped3A : memref<!tpu.dma_semaphore, #tpu.memory_space<semaphore_mem>>)
      %dma_wait3A = arith.constant 0 : i32
      %dma_wait3A_99 = tpu.memref_slice %arg5[%add3A_59, %dma_wait3A] : memref<20000x128xf32, #tpu.memory_space<hbm>> -> memref<125x128xf32, #tpu.memory_space<hbm>>
      %dma_wait3A_100 = arith.constant 0 : i32
      %dma_wait3A_101 = tpu.memref_slice %arg5[%add3A_59, %dma_wait3A_100] : memref<20000x128xf32, #tpu.memory_space<hbm>> -> memref<125x128xf32, #tpu.memory_space<hbm>>
      tpu.wait_dma2 semaphore(%run_scoped3A : memref<!tpu.dma_semaphore, #tpu.memory_space<semaphore_mem>>) src(%arg10 : memref<125x128xf32, #tpu.memory_space<vmem>>) dst(%dma_wait3A_101 : memref<125x128xf32, #tpu.memory_space<hbm>>)
      tpu.yield
    }) : () -> ()
    %add3A_60 = arith.constant 0 : i32
    %add3A_61 = arith.addi %mul3A_22, %add3A_60 : i32
    "tpu.region"() ({
      %run_scoped3A = tpu.sem_alloc : memref<!tpu.dma_semaphore, #tpu.memory_space<semaphore_mem>>
      %dma_start3A = arith.constant 0 : i32
      %dma_start3A_96 = tpu.memref_slice %arg14[%add3A_61, %dma_start3A] : memref<10000x16xf32, #tpu.memory_space<vmem_shared>> -> memref<125x16xf32, #tpu.memory_space<vmem_shared>>
      %dma_start3A_97 = arith.constant 0 : i32
      %dma_start3A_98 = tpu.memref_slice %arg14[%add3A_61, %dma_start3A_97] : memref<10000x16xf32, #tpu.memory_space<vmem_shared>> -> memref<125x16xf32, #tpu.memory_space<vmem_shared>>
      tpu.enqueue_dma source(%dma_start3A_98 : memref<125x16xf32, #tpu.memory_space<vmem_shared>>) target(%arg12 : memref<125x16xf32, #tpu.memory_space<vmem>>) target_semaphore(%run_scoped3A : memref<!tpu.dma_semaphore, #tpu.memory_space<semaphore_mem>>)
      %dma_wait3A = arith.constant 0 : i32
      %dma_wait3A_99 = tpu.memref_slice %arg14[%add3A_61, %dma_wait3A] : memref<10000x16xf32, #tpu.memory_space<vmem_shared>> -> memref<125x16xf32, #tpu.memory_space<vmem_shared>>
      %dma_wait3A_100 = arith.constant 0 : i32
      %dma_wait3A_101 = tpu.memref_slice %arg14[%add3A_61, %dma_wait3A_100] : memref<10000x16xf32, #tpu.memory_space<vmem_shared>> -> memref<125x16xf32, #tpu.memory_space<vmem_shared>>
      tpu.wait_dma2 semaphore(%run_scoped3A : memref<!tpu.dma_semaphore, #tpu.memory_space<semaphore_mem>>) src(%dma_wait3A_101 : memref<125x16xf32, #tpu.memory_space<vmem_shared>>) dst(%arg12 : memref<125x16xf32, #tpu.memory_space<vmem>>)
      tpu.yield
    }) : () -> ()
    %add3A_62 = arith.constant 0 : i32
    %add3A_63 = arith.addi %add3A_55, %add3A_62 : i32
    "tpu.region"() ({
      %run_scoped3A = tpu.sem_alloc : memref<!tpu.dma_semaphore, #tpu.memory_space<semaphore_mem>>
      %dma_start3A = arith.constant 0 : i32
      %dma_start3A_96 = tpu.memref_slice %arg6[%add3A_63, %dma_start3A] : memref<20000x16xf32, #tpu.memory_space<hbm>> -> memref<125x16xf32, #tpu.memory_space<hbm>>
      %dma_start3A_97 = arith.constant 0 : i32
      %dma_start3A_98 = tpu.memref_slice %arg6[%add3A_63, %dma_start3A_97] : memref<20000x16xf32, #tpu.memory_space<hbm>> -> memref<125x16xf32, #tpu.memory_space<hbm>>
      tpu.enqueue_dma source(%arg12 : memref<125x16xf32, #tpu.memory_space<vmem>>) target(%dma_start3A_98 : memref<125x16xf32, #tpu.memory_space<hbm>>) target_semaphore(%run_scoped3A : memref<!tpu.dma_semaphore, #tpu.memory_space<semaphore_mem>>)
      %dma_wait3A = arith.constant 0 : i32
      %dma_wait3A_99 = tpu.memref_slice %arg6[%add3A_63, %dma_wait3A] : memref<20000x16xf32, #tpu.memory_space<hbm>> -> memref<125x16xf32, #tpu.memory_space<hbm>>
      %dma_wait3A_100 = arith.constant 0 : i32
      %dma_wait3A_101 = tpu.memref_slice %arg6[%add3A_63, %dma_wait3A_100] : memref<20000x16xf32, #tpu.memory_space<hbm>> -> memref<125x16xf32, #tpu.memory_space<hbm>>
      tpu.wait_dma2 semaphore(%run_scoped3A : memref<!tpu.dma_semaphore, #tpu.memory_space<semaphore_mem>>) src(%arg12 : memref<125x16xf32, #tpu.memory_space<vmem>>) dst(%dma_wait3A_101 : memref<125x16xf32, #tpu.memory_space<hbm>>)
      tpu.yield
    }) : () -> ()
    %add3A_64 = arith.constant 125 : i32
    %add3A_65 = arith.addi %mul3A_22, %add3A_64 : i32
    "tpu.region"() ({
      %run_scoped3A = tpu.sem_alloc : memref<!tpu.dma_semaphore, #tpu.memory_space<semaphore_mem>>
      %dma_start3A = arith.constant 0 : i32
      %dma_start3A_96 = tpu.memref_slice %arg13[%add3A_65, %dma_start3A] : memref<10000x128xf32, #tpu.memory_space<vmem_shared>> -> memref<125x128xf32, #tpu.memory_space<vmem_shared>>
      %dma_start3A_97 = arith.constant 0 : i32
      %dma_start3A_98 = tpu.memref_slice %arg13[%add3A_65, %dma_start3A_97] : memref<10000x128xf32, #tpu.memory_space<vmem_shared>> -> memref<125x128xf32, #tpu.memory_space<vmem_shared>>
      tpu.enqueue_dma source(%dma_start3A_98 : memref<125x128xf32, #tpu.memory_space<vmem_shared>>) target(%arg10 : memref<125x128xf32, #tpu.memory_space<vmem>>) target_semaphore(%run_scoped3A : memref<!tpu.dma_semaphore, #tpu.memory_space<semaphore_mem>>)
      %dma_wait3A = arith.constant 0 : i32
      %dma_wait3A_99 = tpu.memref_slice %arg13[%add3A_65, %dma_wait3A] : memref<10000x128xf32, #tpu.memory_space<vmem_shared>> -> memref<125x128xf32, #tpu.memory_space<vmem_shared>>
      %dma_wait3A_100 = arith.constant 0 : i32
      %dma_wait3A_101 = tpu.memref_slice %arg13[%add3A_65, %dma_wait3A_100] : memref<10000x128xf32, #tpu.memory_space<vmem_shared>> -> memref<125x128xf32, #tpu.memory_space<vmem_shared>>
      tpu.wait_dma2 semaphore(%run_scoped3A : memref<!tpu.dma_semaphore, #tpu.memory_space<semaphore_mem>>) src(%dma_wait3A_101 : memref<125x128xf32, #tpu.memory_space<vmem_shared>>) dst(%arg10 : memref<125x128xf32, #tpu.memory_space<vmem>>)
      tpu.yield
    }) : () -> ()
    %add3A_66 = arith.constant 125 : i32
    %add3A_67 = arith.addi %add3A_55, %add3A_66 : i32
    "tpu.region"() ({
      %run_scoped3A = tpu.sem_alloc : memref<!tpu.dma_semaphore, #tpu.memory_space<semaphore_mem>>
      %dma_start3A = arith.constant 0 : i32
      %dma_start3A_96 = tpu.memref_slice %arg5[%add3A_67, %dma_start3A] : memref<20000x128xf32, #tpu.memory_space<hbm>> -> memref<125x128xf32, #tpu.memory_space<hbm>>
      %dma_start3A_97 = arith.constant 0 : i32
      %dma_start3A_98 = tpu.memref_slice %arg5[%add3A_67, %dma_start3A_97] : memref<20000x128xf32, #tpu.memory_space<hbm>> -> memref<125x128xf32, #tpu.memory_space<hbm>>
      tpu.enqueue_dma source(%arg10 : memref<125x128xf32, #tpu.memory_space<vmem>>) target(%dma_start3A_98 : memref<125x128xf32, #tpu.memory_space<hbm>>) target_semaphore(%run_scoped3A : memref<!tpu.dma_semaphore, #tpu.memory_space<semaphore_mem>>)
      %dma_wait3A = arith.constant 0 : i32
      %dma_wait3A_99 = tpu.memref_slice %arg5[%add3A_67, %dma_wait3A] : memref<20000x128xf32, #tpu.memory_space<hbm>> -> memref<125x128xf32, #tpu.memory_space<hbm>>
      %dma_wait3A_100 = arith.constant 0 : i32
      %dma_wait3A_101 = tpu.memref_slice %arg5[%add3A_67, %dma_wait3A_100] : memref<20000x128xf32, #tpu.memory_space<hbm>> -> memref<125x128xf32, #tpu.memory_space<hbm>>
      tpu.wait_dma2 semaphore(%run_scoped3A : memref<!tpu.dma_semaphore, #tpu.memory_space<semaphore_mem>>) src(%arg10 : memref<125x128xf32, #tpu.memory_space<vmem>>) dst(%dma_wait3A_101 : memref<125x128xf32, #tpu.memory_space<hbm>>)
      tpu.yield
    }) : () -> ()
    %add3A_68 = arith.constant 125 : i32
    %add3A_69 = arith.addi %mul3A_22, %add3A_68 : i32
    "tpu.region"() ({
      %run_scoped3A = tpu.sem_alloc : memref<!tpu.dma_semaphore, #tpu.memory_space<semaphore_mem>>
      %dma_start3A = arith.constant 0 : i32
      %dma_start3A_96 = tpu.memref_slice %arg14[%add3A_69, %dma_start3A] : memref<10000x16xf32, #tpu.memory_space<vmem_shared>> -> memref<125x16xf32, #tpu.memory_space<vmem_shared>>
      %dma_start3A_97 = arith.constant 0 : i32
      %dma_start3A_98 = tpu.memref_slice %arg14[%add3A_69, %dma_start3A_97] : memref<10000x16xf32, #tpu.memory_space<vmem_shared>> -> memref<125x16xf32, #tpu.memory_space<vmem_shared>>
      tpu.enqueue_dma source(%dma_start3A_98 : memref<125x16xf32, #tpu.memory_space<vmem_shared>>) target(%arg12 : memref<125x16xf32, #tpu.memory_space<vmem>>) target_semaphore(%run_scoped3A : memref<!tpu.dma_semaphore, #tpu.memory_space<semaphore_mem>>)
      %dma_wait3A = arith.constant 0 : i32
      %dma_wait3A_99 = tpu.memref_slice %arg14[%add3A_69, %dma_wait3A] : memref<10000x16xf32, #tpu.memory_space<vmem_shared>> -> memref<125x16xf32, #tpu.memory_space<vmem_shared>>
      %dma_wait3A_100 = arith.constant 0 : i32
      %dma_wait3A_101 = tpu.memref_slice %arg14[%add3A_69, %dma_wait3A_100] : memref<10000x16xf32, #tpu.memory_space<vmem_shared>> -> memref<125x16xf32, #tpu.memory_space<vmem_shared>>
      tpu.wait_dma2 semaphore(%run_scoped3A : memref<!tpu.dma_semaphore, #tpu.memory_space<semaphore_mem>>) src(%dma_wait3A_101 : memref<125x16xf32, #tpu.memory_space<vmem_shared>>) dst(%arg12 : memref<125x16xf32, #tpu.memory_space<vmem>>)
      tpu.yield
    }) : () -> ()
    %add3A_70 = arith.constant 125 : i32
    %add3A_71 = arith.addi %add3A_55, %add3A_70 : i32
    "tpu.region"() ({
      %run_scoped3A = tpu.sem_alloc : memref<!tpu.dma_semaphore, #tpu.memory_space<semaphore_mem>>
      %dma_start3A = arith.constant 0 : i32
      %dma_start3A_96 = tpu.memref_slice %arg6[%add3A_71, %dma_start3A] : memref<20000x16xf32, #tpu.memory_space<hbm>> -> memref<125x16xf32, #tpu.memory_space<hbm>>
      %dma_start3A_97 = arith.constant 0 : i32
      %dma_start3A_98 = tpu.memref_slice %arg6[%add3A_71, %dma_start3A_97] : memref<20000x16xf32, #tpu.memory_space<hbm>> -> memref<125x16xf32, #tpu.memory_space<hbm>>
      tpu.enqueue_dma source(%arg12 : memref<125x16xf32, #tpu.memory_space<vmem>>) target(%dma_start3A_98 : memref<125x16xf32, #tpu.memory_space<hbm>>) target_semaphore(%run_scoped3A : memref<!tpu.dma_semaphore, #tpu.memory_space<semaphore_mem>>)
      %dma_wait3A = arith.constant 0 : i32
      %dma_wait3A_99 = tpu.memref_slice %arg6[%add3A_71, %dma_wait3A] : memref<20000x16xf32, #tpu.memory_space<hbm>> -> memref<125x16xf32, #tpu.memory_space<hbm>>
      %dma_wait3A_100 = arith.constant 0 : i32
      %dma_wait3A_101 = tpu.memref_slice %arg6[%add3A_71, %dma_wait3A_100] : memref<20000x16xf32, #tpu.memory_space<hbm>> -> memref<125x16xf32, #tpu.memory_space<hbm>>
      tpu.wait_dma2 semaphore(%run_scoped3A : memref<!tpu.dma_semaphore, #tpu.memory_space<semaphore_mem>>) src(%arg12 : memref<125x16xf32, #tpu.memory_space<vmem>>) dst(%dma_wait3A_101 : memref<125x16xf32, #tpu.memory_space<hbm>>)
      tpu.yield
    }) : () -> ()
    %add3A_72 = arith.constant 250 : i32
    %add3A_73 = arith.addi %mul3A_22, %add3A_72 : i32
    "tpu.region"() ({
      %run_scoped3A = tpu.sem_alloc : memref<!tpu.dma_semaphore, #tpu.memory_space<semaphore_mem>>
      %dma_start3A = arith.constant 0 : i32
      %dma_start3A_96 = tpu.memref_slice %arg13[%add3A_73, %dma_start3A] : memref<10000x128xf32, #tpu.memory_space<vmem_shared>> -> memref<125x128xf32, #tpu.memory_space<vmem_shared>>
      %dma_start3A_97 = arith.constant 0 : i32
      %dma_start3A_98 = tpu.memref_slice %arg13[%add3A_73, %dma_start3A_97] : memref<10000x128xf32, #tpu.memory_space<vmem_shared>> -> memref<125x128xf32, #tpu.memory_space<vmem_shared>>
      tpu.enqueue_dma source(%dma_start3A_98 : memref<125x128xf32, #tpu.memory_space<vmem_shared>>) target(%arg10 : memref<125x128xf32, #tpu.memory_space<vmem>>) target_semaphore(%run_scoped3A : memref<!tpu.dma_semaphore, #tpu.memory_space<semaphore_mem>>)
      %dma_wait3A = arith.constant 0 : i32
      %dma_wait3A_99 = tpu.memref_slice %arg13[%add3A_73, %dma_wait3A] : memref<10000x128xf32, #tpu.memory_space<vmem_shared>> -> memref<125x128xf32, #tpu.memory_space<vmem_shared>>
      %dma_wait3A_100 = arith.constant 0 : i32
      %dma_wait3A_101 = tpu.memref_slice %arg13[%add3A_73, %dma_wait3A_100] : memref<10000x128xf32, #tpu.memory_space<vmem_shared>> -> memref<125x128xf32, #tpu.memory_space<vmem_shared>>
      tpu.wait_dma2 semaphore(%run_scoped3A : memref<!tpu.dma_semaphore, #tpu.memory_space<semaphore_mem>>) src(%dma_wait3A_101 : memref<125x128xf32, #tpu.memory_space<vmem_shared>>) dst(%arg10 : memref<125x128xf32, #tpu.memory_space<vmem>>)
      tpu.yield
    }) : () -> ()
    %add3A_74 = arith.constant 250 : i32
    %add3A_75 = arith.addi %add3A_55, %add3A_74 : i32
    "tpu.region"() ({
      %run_scoped3A = tpu.sem_alloc : memref<!tpu.dma_semaphore, #tpu.memory_space<semaphore_mem>>
      %dma_start3A = arith.constant 0 : i32
      %dma_start3A_96 = tpu.memref_slice %arg5[%add3A_75, %dma_start3A] : memref<20000x128xf32, #tpu.memory_space<hbm>> -> memref<125x128xf32, #tpu.memory_space<hbm>>
      %dma_start3A_97 = arith.constant 0 : i32
      %dma_start3A_98 = tpu.memref_slice %arg5[%add3A_75, %dma_start3A_97] : memref<20000x128xf32, #tpu.memory_space<hbm>> -> memref<125x128xf32, #tpu.memory_space<hbm>>
      tpu.enqueue_dma source(%arg10 : memref<125x128xf32, #tpu.memory_space<vmem>>) target(%dma_start3A_98 : memref<125x128xf32, #tpu.memory_space<hbm>>) target_semaphore(%run_scoped3A : memref<!tpu.dma_semaphore, #tpu.memory_space<semaphore_mem>>)
      %dma_wait3A = arith.constant 0 : i32
      %dma_wait3A_99 = tpu.memref_slice %arg5[%add3A_75, %dma_wait3A] : memref<20000x128xf32, #tpu.memory_space<hbm>> -> memref<125x128xf32, #tpu.memory_space<hbm>>
      %dma_wait3A_100 = arith.constant 0 : i32
      %dma_wait3A_101 = tpu.memref_slice %arg5[%add3A_75, %dma_wait3A_100] : memref<20000x128xf32, #tpu.memory_space<hbm>> -> memref<125x128xf32, #tpu.memory_space<hbm>>
      tpu.wait_dma2 semaphore(%run_scoped3A : memref<!tpu.dma_semaphore, #tpu.memory_space<semaphore_mem>>) src(%arg10 : memref<125x128xf32, #tpu.memory_space<vmem>>) dst(%dma_wait3A_101 : memref<125x128xf32, #tpu.memory_space<hbm>>)
      tpu.yield
    }) : () -> ()
    %add3A_76 = arith.constant 250 : i32
    %add3A_77 = arith.addi %mul3A_22, %add3A_76 : i32
    "tpu.region"() ({
      %run_scoped3A = tpu.sem_alloc : memref<!tpu.dma_semaphore, #tpu.memory_space<semaphore_mem>>
      %dma_start3A = arith.constant 0 : i32
      %dma_start3A_96 = tpu.memref_slice %arg14[%add3A_77, %dma_start3A] : memref<10000x16xf32, #tpu.memory_space<vmem_shared>> -> memref<125x16xf32, #tpu.memory_space<vmem_shared>>
      %dma_start3A_97 = arith.constant 0 : i32
      %dma_start3A_98 = tpu.memref_slice %arg14[%add3A_77, %dma_start3A_97] : memref<10000x16xf32, #tpu.memory_space<vmem_shared>> -> memref<125x16xf32, #tpu.memory_space<vmem_shared>>
      tpu.enqueue_dma source(%dma_start3A_98 : memref<125x16xf32, #tpu.memory_space<vmem_shared>>) target(%arg12 : memref<125x16xf32, #tpu.memory_space<vmem>>) target_semaphore(%run_scoped3A : memref<!tpu.dma_semaphore, #tpu.memory_space<semaphore_mem>>)
      %dma_wait3A = arith.constant 0 : i32
      %dma_wait3A_99 = tpu.memref_slice %arg14[%add3A_77, %dma_wait3A] : memref<10000x16xf32, #tpu.memory_space<vmem_shared>> -> memref<125x16xf32, #tpu.memory_space<vmem_shared>>
      %dma_wait3A_100 = arith.constant 0 : i32
      %dma_wait3A_101 = tpu.memref_slice %arg14[%add3A_77, %dma_wait3A_100] : memref<10000x16xf32, #tpu.memory_space<vmem_shared>> -> memref<125x16xf32, #tpu.memory_space<vmem_shared>>
      tpu.wait_dma2 semaphore(%run_scoped3A : memref<!tpu.dma_semaphore, #tpu.memory_space<semaphore_mem>>) src(%dma_wait3A_101 : memref<125x16xf32, #tpu.memory_space<vmem_shared>>) dst(%arg12 : memref<125x16xf32, #tpu.memory_space<vmem>>)
      tpu.yield
    }) : () -> ()
    %add3A_78 = arith.constant 250 : i32
    %add3A_79 = arith.addi %add3A_55, %add3A_78 : i32
    "tpu.region"() ({
      %run_scoped3A = tpu.sem_alloc : memref<!tpu.dma_semaphore, #tpu.memory_space<semaphore_mem>>
      %dma_start3A = arith.constant 0 : i32
      %dma_start3A_96 = tpu.memref_slice %arg6[%add3A_79, %dma_start3A] : memref<20000x16xf32, #tpu.memory_space<hbm>> -> memref<125x16xf32, #tpu.memory_space<hbm>>
      %dma_start3A_97 = arith.constant 0 : i32
      %dma_start3A_98 = tpu.memref_slice %arg6[%add3A_79, %dma_start3A_97] : memref<20000x16xf32, #tpu.memory_space<hbm>> -> memref<125x16xf32, #tpu.memory_space<hbm>>
      tpu.enqueue_dma source(%arg12 : memref<125x16xf32, #tpu.memory_space<vmem>>) target(%dma_start3A_98 : memref<125x16xf32, #tpu.memory_space<hbm>>) target_semaphore(%run_scoped3A : memref<!tpu.dma_semaphore, #tpu.memory_space<semaphore_mem>>)
      %dma_wait3A = arith.constant 0 : i32
      %dma_wait3A_99 = tpu.memref_slice %arg6[%add3A_79, %dma_wait3A] : memref<20000x16xf32, #tpu.memory_space<hbm>> -> memref<125x16xf32, #tpu.memory_space<hbm>>
      %dma_wait3A_100 = arith.constant 0 : i32
      %dma_wait3A_101 = tpu.memref_slice %arg6[%add3A_79, %dma_wait3A_100] : memref<20000x16xf32, #tpu.memory_space<hbm>> -> memref<125x16xf32, #tpu.memory_space<hbm>>
      tpu.wait_dma2 semaphore(%run_scoped3A : memref<!tpu.dma_semaphore, #tpu.memory_space<semaphore_mem>>) src(%arg12 : memref<125x16xf32, #tpu.memory_space<vmem>>) dst(%dma_wait3A_101 : memref<125x16xf32, #tpu.memory_space<hbm>>)
      tpu.yield
    }) : () -> ()
    %add3A_80 = arith.constant 375 : i32
    %add3A_81 = arith.addi %mul3A_22, %add3A_80 : i32
    "tpu.region"() ({
      %run_scoped3A = tpu.sem_alloc : memref<!tpu.dma_semaphore, #tpu.memory_space<semaphore_mem>>
      %dma_start3A = arith.constant 0 : i32
      %dma_start3A_96 = tpu.memref_slice %arg13[%add3A_81, %dma_start3A] : memref<10000x128xf32, #tpu.memory_space<vmem_shared>> -> memref<125x128xf32, #tpu.memory_space<vmem_shared>>
      %dma_start3A_97 = arith.constant 0 : i32
      %dma_start3A_98 = tpu.memref_slice %arg13[%add3A_81, %dma_start3A_97] : memref<10000x128xf32, #tpu.memory_space<vmem_shared>> -> memref<125x128xf32, #tpu.memory_space<vmem_shared>>
      tpu.enqueue_dma source(%dma_start3A_98 : memref<125x128xf32, #tpu.memory_space<vmem_shared>>) target(%arg10 : memref<125x128xf32, #tpu.memory_space<vmem>>) target_semaphore(%run_scoped3A : memref<!tpu.dma_semaphore, #tpu.memory_space<semaphore_mem>>)
      %dma_wait3A = arith.constant 0 : i32
      %dma_wait3A_99 = tpu.memref_slice %arg13[%add3A_81, %dma_wait3A] : memref<10000x128xf32, #tpu.memory_space<vmem_shared>> -> memref<125x128xf32, #tpu.memory_space<vmem_shared>>
      %dma_wait3A_100 = arith.constant 0 : i32
      %dma_wait3A_101 = tpu.memref_slice %arg13[%add3A_81, %dma_wait3A_100] : memref<10000x128xf32, #tpu.memory_space<vmem_shared>> -> memref<125x128xf32, #tpu.memory_space<vmem_shared>>
      tpu.wait_dma2 semaphore(%run_scoped3A : memref<!tpu.dma_semaphore, #tpu.memory_space<semaphore_mem>>) src(%dma_wait3A_101 : memref<125x128xf32, #tpu.memory_space<vmem_shared>>) dst(%arg10 : memref<125x128xf32, #tpu.memory_space<vmem>>)
      tpu.yield
    }) : () -> ()
    %add3A_82 = arith.constant 375 : i32
    %add3A_83 = arith.addi %add3A_55, %add3A_82 : i32
    "tpu.region"() ({
      %run_scoped3A = tpu.sem_alloc : memref<!tpu.dma_semaphore, #tpu.memory_space<semaphore_mem>>
      %dma_start3A = arith.constant 0 : i32
      %dma_start3A_96 = tpu.memref_slice %arg5[%add3A_83, %dma_start3A] : memref<20000x128xf32, #tpu.memory_space<hbm>> -> memref<125x128xf32, #tpu.memory_space<hbm>>
      %dma_start3A_97 = arith.constant 0 : i32
      %dma_start3A_98 = tpu.memref_slice %arg5[%add3A_83, %dma_start3A_97] : memref<20000x128xf32, #tpu.memory_space<hbm>> -> memref<125x128xf32, #tpu.memory_space<hbm>>
      tpu.enqueue_dma source(%arg10 : memref<125x128xf32, #tpu.memory_space<vmem>>) target(%dma_start3A_98 : memref<125x128xf32, #tpu.memory_space<hbm>>) target_semaphore(%run_scoped3A : memref<!tpu.dma_semaphore, #tpu.memory_space<semaphore_mem>>)
      %dma_wait3A = arith.constant 0 : i32
      %dma_wait3A_99 = tpu.memref_slice %arg5[%add3A_83, %dma_wait3A] : memref<20000x128xf32, #tpu.memory_space<hbm>> -> memref<125x128xf32, #tpu.memory_space<hbm>>
      %dma_wait3A_100 = arith.constant 0 : i32
      %dma_wait3A_101 = tpu.memref_slice %arg5[%add3A_83, %dma_wait3A_100] : memref<20000x128xf32, #tpu.memory_space<hbm>> -> memref<125x128xf32, #tpu.memory_space<hbm>>
      tpu.wait_dma2 semaphore(%run_scoped3A : memref<!tpu.dma_semaphore, #tpu.memory_space<semaphore_mem>>) src(%arg10 : memref<125x128xf32, #tpu.memory_space<vmem>>) dst(%dma_wait3A_101 : memref<125x128xf32, #tpu.memory_space<hbm>>)
      tpu.yield
    }) : () -> ()
    %add3A_84 = arith.constant 375 : i32
    %add3A_85 = arith.addi %mul3A_22, %add3A_84 : i32
    "tpu.region"() ({
      %run_scoped3A = tpu.sem_alloc : memref<!tpu.dma_semaphore, #tpu.memory_space<semaphore_mem>>
      %dma_start3A = arith.constant 0 : i32
      %dma_start3A_96 = tpu.memref_slice %arg14[%add3A_85, %dma_start3A] : memref<10000x16xf32, #tpu.memory_space<vmem_shared>> -> memref<125x16xf32, #tpu.memory_space<vmem_shared>>
      %dma_start3A_97 = arith.constant 0 : i32
      %dma_start3A_98 = tpu.memref_slice %arg14[%add3A_85, %dma_start3A_97] : memref<10000x16xf32, #tpu.memory_space<vmem_shared>> -> memref<125x16xf32, #tpu.memory_space<vmem_shared>>
      tpu.enqueue_dma source(%dma_start3A_98 : memref<125x16xf32, #tpu.memory_space<vmem_shared>>) target(%arg12 : memref<125x16xf32, #tpu.memory_space<vmem>>) target_semaphore(%run_scoped3A : memref<!tpu.dma_semaphore, #tpu.memory_space<semaphore_mem>>)
      %dma_wait3A = arith.constant 0 : i32
      %dma_wait3A_99 = tpu.memref_slice %arg14[%add3A_85, %dma_wait3A] : memref<10000x16xf32, #tpu.memory_space<vmem_shared>> -> memref<125x16xf32, #tpu.memory_space<vmem_shared>>
      %dma_wait3A_100 = arith.constant 0 : i32
      %dma_wait3A_101 = tpu.memref_slice %arg14[%add3A_85, %dma_wait3A_100] : memref<10000x16xf32, #tpu.memory_space<vmem_shared>> -> memref<125x16xf32, #tpu.memory_space<vmem_shared>>
      tpu.wait_dma2 semaphore(%run_scoped3A : memref<!tpu.dma_semaphore, #tpu.memory_space<semaphore_mem>>) src(%dma_wait3A_101 : memref<125x16xf32, #tpu.memory_space<vmem_shared>>) dst(%arg12 : memref<125x16xf32, #tpu.memory_space<vmem>>)
      tpu.yield
    }) : () -> ()
    %add3A_86 = arith.constant 375 : i32
    %add3A_87 = arith.addi %add3A_55, %add3A_86 : i32
    "tpu.region"() ({
      %run_scoped3A = tpu.sem_alloc : memref<!tpu.dma_semaphore, #tpu.memory_space<semaphore_mem>>
      %dma_start3A = arith.constant 0 : i32
      %dma_start3A_96 = tpu.memref_slice %arg6[%add3A_87, %dma_start3A] : memref<20000x16xf32, #tpu.memory_space<hbm>> -> memref<125x16xf32, #tpu.memory_space<hbm>>
      %dma_start3A_97 = arith.constant 0 : i32
      %dma_start3A_98 = tpu.memref_slice %arg6[%add3A_87, %dma_start3A_97] : memref<20000x16xf32, #tpu.memory_space<hbm>> -> memref<125x16xf32, #tpu.memory_space<hbm>>
      tpu.enqueue_dma source(%arg12 : memref<125x16xf32, #tpu.memory_space<vmem>>) target(%dma_start3A_98 : memref<125x16xf32, #tpu.memory_space<hbm>>) target_semaphore(%run_scoped3A : memref<!tpu.dma_semaphore, #tpu.memory_space<semaphore_mem>>)
      %dma_wait3A = arith.constant 0 : i32
      %dma_wait3A_99 = tpu.memref_slice %arg6[%add3A_87, %dma_wait3A] : memref<20000x16xf32, #tpu.memory_space<hbm>> -> memref<125x16xf32, #tpu.memory_space<hbm>>
      %dma_wait3A_100 = arith.constant 0 : i32
      %dma_wait3A_101 = tpu.memref_slice %arg6[%add3A_87, %dma_wait3A_100] : memref<20000x16xf32, #tpu.memory_space<hbm>> -> memref<125x16xf32, #tpu.memory_space<hbm>>
      tpu.wait_dma2 semaphore(%run_scoped3A : memref<!tpu.dma_semaphore, #tpu.memory_space<semaphore_mem>>) src(%arg12 : memref<125x16xf32, #tpu.memory_space<vmem>>) dst(%dma_wait3A_101 : memref<125x16xf32, #tpu.memory_space<hbm>>)
      tpu.yield
    }) : () -> ()
    %add3A_88 = arith.constant 500 : i32
    %add3A_89 = arith.addi %mul3A_22, %add3A_88 : i32
    "tpu.region"() ({
      %run_scoped3A = tpu.sem_alloc : memref<!tpu.dma_semaphore, #tpu.memory_space<semaphore_mem>>
      %dma_start3A = arith.constant 0 : i32
      %dma_start3A_96 = tpu.memref_slice %arg13[%add3A_89, %dma_start3A] : memref<10000x128xf32, #tpu.memory_space<vmem_shared>> -> memref<125x128xf32, #tpu.memory_space<vmem_shared>>
      %dma_start3A_97 = arith.constant 0 : i32
      %dma_start3A_98 = tpu.memref_slice %arg13[%add3A_89, %dma_start3A_97] : memref<10000x128xf32, #tpu.memory_space<vmem_shared>> -> memref<125x128xf32, #tpu.memory_space<vmem_shared>>
      tpu.enqueue_dma source(%dma_start3A_98 : memref<125x128xf32, #tpu.memory_space<vmem_shared>>) target(%arg10 : memref<125x128xf32, #tpu.memory_space<vmem>>) target_semaphore(%run_scoped3A : memref<!tpu.dma_semaphore, #tpu.memory_space<semaphore_mem>>)
      %dma_wait3A = arith.constant 0 : i32
      %dma_wait3A_99 = tpu.memref_slice %arg13[%add3A_89, %dma_wait3A] : memref<10000x128xf32, #tpu.memory_space<vmem_shared>> -> memref<125x128xf32, #tpu.memory_space<vmem_shared>>
      %dma_wait3A_100 = arith.constant 0 : i32
      %dma_wait3A_101 = tpu.memref_slice %arg13[%add3A_89, %dma_wait3A_100] : memref<10000x128xf32, #tpu.memory_space<vmem_shared>> -> memref<125x128xf32, #tpu.memory_space<vmem_shared>>
      tpu.wait_dma2 semaphore(%run_scoped3A : memref<!tpu.dma_semaphore, #tpu.memory_space<semaphore_mem>>) src(%dma_wait3A_101 : memref<125x128xf32, #tpu.memory_space<vmem_shared>>) dst(%arg10 : memref<125x128xf32, #tpu.memory_space<vmem>>)
      tpu.yield
    }) : () -> ()
    %add3A_90 = arith.constant 500 : i32
    %add3A_91 = arith.addi %add3A_55, %add3A_90 : i32
    "tpu.region"() ({
      %run_scoped3A = tpu.sem_alloc : memref<!tpu.dma_semaphore, #tpu.memory_space<semaphore_mem>>
      %dma_start3A = arith.constant 0 : i32
      %dma_start3A_96 = tpu.memref_slice %arg5[%add3A_91, %dma_start3A] : memref<20000x128xf32, #tpu.memory_space<hbm>> -> memref<125x128xf32, #tpu.memory_space<hbm>>
      %dma_start3A_97 = arith.constant 0 : i32
      %dma_start3A_98 = tpu.memref_slice %arg5[%add3A_91, %dma_start3A_97] : memref<20000x128xf32, #tpu.memory_space<hbm>> -> memref<125x128xf32, #tpu.memory_space<hbm>>
      tpu.enqueue_dma source(%arg10 : memref<125x128xf32, #tpu.memory_space<vmem>>) target(%dma_start3A_98 : memref<125x128xf32, #tpu.memory_space<hbm>>) target_semaphore(%run_scoped3A : memref<!tpu.dma_semaphore, #tpu.memory_space<semaphore_mem>>)
      %dma_wait3A = arith.constant 0 : i32
      %dma_wait3A_99 = tpu.memref_slice %arg5[%add3A_91, %dma_wait3A] : memref<20000x128xf32, #tpu.memory_space<hbm>> -> memref<125x128xf32, #tpu.memory_space<hbm>>
      %dma_wait3A_100 = arith.constant 0 : i32
      %dma_wait3A_101 = tpu.memref_slice %arg5[%add3A_91, %dma_wait3A_100] : memref<20000x128xf32, #tpu.memory_space<hbm>> -> memref<125x128xf32, #tpu.memory_space<hbm>>
      tpu.wait_dma2 semaphore(%run_scoped3A : memref<!tpu.dma_semaphore, #tpu.memory_space<semaphore_mem>>) src(%arg10 : memref<125x128xf32, #tpu.memory_space<vmem>>) dst(%dma_wait3A_101 : memref<125x128xf32, #tpu.memory_space<hbm>>)
      tpu.yield
    }) : () -> ()
    %add3A_92 = arith.constant 500 : i32
    %add3A_93 = arith.addi %mul3A_22, %add3A_92 : i32
    "tpu.region"() ({
      %run_scoped3A = tpu.sem_alloc : memref<!tpu.dma_semaphore, #tpu.memory_space<semaphore_mem>>
      %dma_start3A = arith.constant 0 : i32
      %dma_start3A_96 = tpu.memref_slice %arg14[%add3A_93, %dma_start3A] : memref<10000x16xf32, #tpu.memory_space<vmem_shared>> -> memref<125x16xf32, #tpu.memory_space<vmem_shared>>
      %dma_start3A_97 = arith.constant 0 : i32
      %dma_start3A_98 = tpu.memref_slice %arg14[%add3A_93, %dma_start3A_97] : memref<10000x16xf32, #tpu.memory_space<vmem_shared>> -> memref<125x16xf32, #tpu.memory_space<vmem_shared>>
      tpu.enqueue_dma source(%dma_start3A_98 : memref<125x16xf32, #tpu.memory_space<vmem_shared>>) target(%arg12 : memref<125x16xf32, #tpu.memory_space<vmem>>) target_semaphore(%run_scoped3A : memref<!tpu.dma_semaphore, #tpu.memory_space<semaphore_mem>>)
      %dma_wait3A = arith.constant 0 : i32
      %dma_wait3A_99 = tpu.memref_slice %arg14[%add3A_93, %dma_wait3A] : memref<10000x16xf32, #tpu.memory_space<vmem_shared>> -> memref<125x16xf32, #tpu.memory_space<vmem_shared>>
      %dma_wait3A_100 = arith.constant 0 : i32
      %dma_wait3A_101 = tpu.memref_slice %arg14[%add3A_93, %dma_wait3A_100] : memref<10000x16xf32, #tpu.memory_space<vmem_shared>> -> memref<125x16xf32, #tpu.memory_space<vmem_shared>>
      tpu.wait_dma2 semaphore(%run_scoped3A : memref<!tpu.dma_semaphore, #tpu.memory_space<semaphore_mem>>) src(%dma_wait3A_101 : memref<125x16xf32, #tpu.memory_space<vmem_shared>>) dst(%arg12 : memref<125x16xf32, #tpu.memory_space<vmem>>)
      tpu.yield
    }) : () -> ()
    %add3A_94 = arith.constant 500 : i32
    %add3A_95 = arith.addi %add3A_55, %add3A_94 : i32
    "tpu.region"() ({
      %run_scoped3A = tpu.sem_alloc : memref<!tpu.dma_semaphore, #tpu.memory_space<semaphore_mem>>
      %dma_start3A = arith.constant 0 : i32
      %dma_start3A_96 = tpu.memref_slice %arg6[%add3A_95, %dma_start3A] : memref<20000x16xf32, #tpu.memory_space<hbm>> -> memref<125x16xf32, #tpu.memory_space<hbm>>
      %dma_start3A_97 = arith.constant 0 : i32
      %dma_start3A_98 = tpu.memref_slice %arg6[%add3A_95, %dma_start3A_97] : memref<20000x16xf32, #tpu.memory_space<hbm>> -> memref<125x16xf32, #tpu.memory_space<hbm>>
      tpu.enqueue_dma source(%arg12 : memref<125x16xf32, #tpu.memory_space<vmem>>) target(%dma_start3A_98 : memref<125x16xf32, #tpu.memory_space<hbm>>) target_semaphore(%run_scoped3A : memref<!tpu.dma_semaphore, #tpu.memory_space<semaphore_mem>>)
      %dma_wait3A = arith.constant 0 : i32
      %dma_wait3A_99 = tpu.memref_slice %arg6[%add3A_95, %dma_wait3A] : memref<20000x16xf32, #tpu.memory_space<hbm>> -> memref<125x16xf32, #tpu.memory_space<hbm>>
      %dma_wait3A_100 = arith.constant 0 : i32
      %dma_wait3A_101 = tpu.memref_slice %arg6[%add3A_95, %dma_wait3A_100] : memref<20000x16xf32, #tpu.memory_space<hbm>> -> memref<125x16xf32, #tpu.memory_space<hbm>>
      tpu.wait_dma2 semaphore(%run_scoped3A : memref<!tpu.dma_semaphore, #tpu.memory_space<semaphore_mem>>) src(%arg12 : memref<125x16xf32, #tpu.memory_space<vmem>>) dst(%dma_wait3A_101 : memref<125x16xf32, #tpu.memory_space<hbm>>)
      tpu.yield
    }) : () -> ()
    return
  }
}

#map = affine_map<(d0, d1) -> (0, 0)>
#map1 = affine_map<(d0, d1) -> (0)>
module attributes {stable_mosaic.version = 14 : i64} {
  func.func @body(%arg0: i32, %arg1: i32, %arg2: memref<10000x128xf32, #tpu.memory_space<hbm>>, %arg3: memref<320000xi32, #tpu.memory_space<hbm>>, %arg4: memref<320000xi32, #tpu.memory_space<hbm>>, %arg5: memref<20000x128xf32, #tpu.memory_space<hbm>>, %arg6: memref<80xi32, #tpu.memory_space<vmem>>, %arg7: memref<80xi32, #tpu.memory_space<vmem>>, %arg8: memref<80x128xf32, #tpu.memory_space<vmem>>, %arg9: memref<125x128xf32, #tpu.memory_space<vmem>>, %arg10: memref<10000x128xf32, #tpu.memory_space<vmem_shared>>, %arg11: memref<!tpu.dma_semaphore, #tpu.memory_space<semaphore_mem>>) attributes {dimension_semantics = [#tpu.dimension_semantics<core_parallel>, #tpu.dimension_semantics<subcore_parallel>], iteration_bounds = array<i64: 2, 16>, scalar_prefetch = 0 : i64, scratch_operands = 6 : i64, tpu.core_type = #tpu.core_type<sc_vector_subcore>, window_params = [{transform_indices = #map}, {transform_indices = #map1}, {transform_indices = #map1}, {transform_indices = #map}]} {
    %mul3A = arith.constant 16 : i32
    %mul3A_0 = arith.muli %arg0, %mul3A : i32
    %add3A = arith.addi %mul3A_0, %arg1 : i32
    %scan3A = arith.constant 0 : i32
    %scan3A_1 = arith.constant 0 : i32
    %scan3A_2 = arith.constant 125 : i32
    %scan3A_3 = arith.addi %scan3A_1, %scan3A_2 : i32
    %scan3A_4 = arith.constant 1 : i32
    %scan3A_5 = scf.for %scan3A_52 = %scan3A_1 to %scan3A_3 step %scan3A_4 iter_args(%scan3A_53 = %scan3A) -> (i32)  : i32 {
      %broadcast_in_dim3A = arith.constant 0.000000e+00 : f32
      %broadcast_in_dim3A_54 = vector.broadcast %broadcast_in_dim3A : f32 to vector<16xf32>
      %swap3A = arith.index_cast %scan3A_52 : i32 to index
      %swap3A_55 = arith.constant 0 : index
      %swap3A_56 = tpu.vector_load %arg9[%swap3A, %swap3A_55] {strides = array<i32>} : memref<125x128xf32, #tpu.memory_space<vmem>>, vector<1x16xf32>,
      %swap3A_57 = vector.shape_cast %swap3A_56 : vector<1x16xf32> to vector<16xf32>
      %swap3A_58 = vector.shape_cast %broadcast_in_dim3A_54 : vector<16xf32> to vector<1x16xf32>
      tpu.vector_store %arg9[%swap3A, %swap3A_55], %swap3A_58 {strides = array<i32>} : memref<125x128xf32, #tpu.memory_space<vmem>>, vector<1x16xf32>,
      %broadcast_in_dim3A_59 = arith.constant 0.000000e+00 : f32
      %broadcast_in_dim3A_60 = vector.broadcast %broadcast_in_dim3A_59 : f32 to vector<16xf32>
      %swap3A_61 = arith.index_cast %scan3A_52 : i32 to index
      %swap3A_62 = arith.constant 16 : index
      %swap3A_63 = tpu.vector_load %arg9[%swap3A_61, %swap3A_62] {strides = array<i32>} : memref<125x128xf32, #tpu.memory_space<vmem>>, vector<1x16xf32>,
      %swap3A_64 = vector.shape_cast %swap3A_63 : vector<1x16xf32> to vector<16xf32>
      %swap3A_65 = vector.shape_cast %broadcast_in_dim3A_60 : vector<16xf32> to vector<1x16xf32>
      tpu.vector_store %arg9[%swap3A_61, %swap3A_62], %swap3A_65 {strides = array<i32>} : memref<125x128xf32, #tpu.memory_space<vmem>>, vector<1x16xf32>,
      %broadcast_in_dim3A_66 = arith.constant 0.000000e+00 : f32
      %broadcast_in_dim3A_67 = vector.broadcast %broadcast_in_dim3A_66 : f32 to vector<16xf32>
      %swap3A_68 = arith.index_cast %scan3A_52 : i32 to index
      %swap3A_69 = arith.constant 32 : index
      %swap3A_70 = tpu.vector_load %arg9[%swap3A_68, %swap3A_69] {strides = array<i32>} : memref<125x128xf32, #tpu.memory_space<vmem>>, vector<1x16xf32>,
      %swap3A_71 = vector.shape_cast %swap3A_70 : vector<1x16xf32> to vector<16xf32>
      %swap3A_72 = vector.shape_cast %broadcast_in_dim3A_67 : vector<16xf32> to vector<1x16xf32>
      tpu.vector_store %arg9[%swap3A_68, %swap3A_69], %swap3A_72 {strides = array<i32>} : memref<125x128xf32, #tpu.memory_space<vmem>>, vector<1x16xf32>,
      %broadcast_in_dim3A_73 = arith.constant 0.000000e+00 : f32
      %broadcast_in_dim3A_74 = vector.broadcast %broadcast_in_dim3A_73 : f32 to vector<16xf32>
      %swap3A_75 = arith.index_cast %scan3A_52 : i32 to index
      %swap3A_76 = arith.constant 48 : index
      %swap3A_77 = tpu.vector_load %arg9[%swap3A_75, %swap3A_76] {strides = array<i32>} : memref<125x128xf32, #tpu.memory_space<vmem>>, vector<1x16xf32>,
      %swap3A_78 = vector.shape_cast %swap3A_77 : vector<1x16xf32> to vector<16xf32>
      %swap3A_79 = vector.shape_cast %broadcast_in_dim3A_74 : vector<16xf32> to vector<1x16xf32>
      tpu.vector_store %arg9[%swap3A_75, %swap3A_76], %swap3A_79 {strides = array<i32>} : memref<125x128xf32, #tpu.memory_space<vmem>>, vector<1x16xf32>,
      %broadcast_in_dim3A_80 = arith.constant 0.000000e+00 : f32
      %broadcast_in_dim3A_81 = vector.broadcast %broadcast_in_dim3A_80 : f32 to vector<16xf32>
      %swap3A_82 = arith.index_cast %scan3A_52 : i32 to index
      %swap3A_83 = arith.constant 64 : index
      %swap3A_84 = tpu.vector_load %arg9[%swap3A_82, %swap3A_83] {strides = array<i32>} : memref<125x128xf32, #tpu.memory_space<vmem>>, vector<1x16xf32>,
      %swap3A_85 = vector.shape_cast %swap3A_84 : vector<1x16xf32> to vector<16xf32>
      %swap3A_86 = vector.shape_cast %broadcast_in_dim3A_81 : vector<16xf32> to vector<1x16xf32>
      tpu.vector_store %arg9[%swap3A_82, %swap3A_83], %swap3A_86 {strides = array<i32>} : memref<125x128xf32, #tpu.memory_space<vmem>>, vector<1x16xf32>,
      %broadcast_in_dim3A_87 = arith.constant 0.000000e+00 : f32
      %broadcast_in_dim3A_88 = vector.broadcast %broadcast_in_dim3A_87 : f32 to vector<16xf32>
      %swap3A_89 = arith.index_cast %scan3A_52 : i32 to index
      %swap3A_90 = arith.constant 80 : index
      %swap3A_91 = tpu.vector_load %arg9[%swap3A_89, %swap3A_90] {strides = array<i32>} : memref<125x128xf32, #tpu.memory_space<vmem>>, vector<1x16xf32>,
      %swap3A_92 = vector.shape_cast %swap3A_91 : vector<1x16xf32> to vector<16xf32>
      %swap3A_93 = vector.shape_cast %broadcast_in_dim3A_88 : vector<16xf32> to vector<1x16xf32>
      tpu.vector_store %arg9[%swap3A_89, %swap3A_90], %swap3A_93 {strides = array<i32>} : memref<125x128xf32, #tpu.memory_space<vmem>>, vector<1x16xf32>,
      %broadcast_in_dim3A_94 = arith.constant 0.000000e+00 : f32
      %broadcast_in_dim3A_95 = vector.broadcast %broadcast_in_dim3A_94 : f32 to vector<16xf32>
      %swap3A_96 = arith.index_cast %scan3A_52 : i32 to index
      %swap3A_97 = arith.constant 96 : index
      %swap3A_98 = tpu.vector_load %arg9[%swap3A_96, %swap3A_97] {strides = array<i32>} : memref<125x128xf32, #tpu.memory_space<vmem>>, vector<1x16xf32>,
      %swap3A_99 = vector.shape_cast %swap3A_98 : vector<1x16xf32> to vector<16xf32>
      %swap3A_100 = vector.shape_cast %broadcast_in_dim3A_95 : vector<16xf32> to vector<1x16xf32>
      tpu.vector_store %arg9[%swap3A_96, %swap3A_97], %swap3A_100 {strides = array<i32>} : memref<125x128xf32, #tpu.memory_space<vmem>>, vector<1x16xf32>,
      %broadcast_in_dim3A_101 = arith.constant 0.000000e+00 : f32
      %broadcast_in_dim3A_102 = vector.broadcast %broadcast_in_dim3A_101 : f32 to vector<16xf32>
      %swap3A_103 = arith.index_cast %scan3A_52 : i32 to index
      %swap3A_104 = arith.constant 112 : index
      %swap3A_105 = tpu.vector_load %arg9[%swap3A_103, %swap3A_104] {strides = array<i32>} : memref<125x128xf32, #tpu.memory_space<vmem>>, vector<1x16xf32>,
      %swap3A_106 = vector.shape_cast %swap3A_105 : vector<1x16xf32> to vector<16xf32>
      %swap3A_107 = vector.shape_cast %broadcast_in_dim3A_102 : vector<16xf32> to vector<1x16xf32>
      tpu.vector_store %arg9[%swap3A_103, %swap3A_104], %swap3A_107 {strides = array<i32>} : memref<125x128xf32, #tpu.memory_space<vmem>>, vector<1x16xf32>,
      %scan3A_108 = arith.constant 0 : i32
      scf.yield %scan3A_108 : i32
    }
    %scan3A_6 = arith.constant 125 : i32
    %mul3A_7 = arith.constant 625 : i32
    %mul3A_8 = arith.muli %arg1, %mul3A_7 : i32
    %add3A_9 = arith.constant 0 : i32
    %add3A_10 = arith.addi %mul3A_8, %add3A_9 : i32
    "tpu.region"() ({
      %run_scoped3A = tpu.sem_alloc : memref<!tpu.dma_semaphore, #tpu.memory_space<semaphore_mem>>
      %dma_start3A = arith.constant 0 : i32
      %dma_start3A_52 = tpu.memref_slice %arg10[%add3A_10, %dma_start3A] : memref<10000x128xf32, #tpu.memory_space<vmem_shared>> -> memref<125x128xf32, #tpu.memory_space<vmem_shared>>
      %dma_start3A_53 = arith.constant 0 : i32
      %dma_start3A_54 = tpu.memref_slice %arg10[%add3A_10, %dma_start3A_53] : memref<10000x128xf32, #tpu.memory_space<vmem_shared>> -> memref<125x128xf32, #tpu.memory_space<vmem_shared>>
      tpu.enqueue_dma source(%arg9 : memref<125x128xf32, #tpu.memory_space<vmem>>) target(%dma_start3A_54 : memref<125x128xf32, #tpu.memory_space<vmem_shared>>) target_semaphore(%run_scoped3A : memref<!tpu.dma_semaphore, #tpu.memory_space<semaphore_mem>>)
      %dma_wait3A = arith.constant 0 : i32
      %dma_wait3A_55 = tpu.memref_slice %arg10[%add3A_10, %dma_wait3A] : memref<10000x128xf32, #tpu.memory_space<vmem_shared>> -> memref<125x128xf32, #tpu.memory_space<vmem_shared>>
      %dma_wait3A_56 = arith.constant 0 : i32
      %dma_wait3A_57 = tpu.memref_slice %arg10[%add3A_10, %dma_wait3A_56] : memref<10000x128xf32, #tpu.memory_space<vmem_shared>> -> memref<125x128xf32, #tpu.memory_space<vmem_shared>>
      tpu.wait_dma2 semaphore(%run_scoped3A : memref<!tpu.dma_semaphore, #tpu.memory_space<semaphore_mem>>) src(%arg9 : memref<125x128xf32, #tpu.memory_space<vmem>>) dst(%dma_wait3A_57 : memref<125x128xf32, #tpu.memory_space<vmem_shared>>)
      tpu.yield
    }) : () -> ()
    %add3A_11 = arith.constant 125 : i32
    %add3A_12 = arith.addi %mul3A_8, %add3A_11 : i32
    "tpu.region"() ({
      %run_scoped3A = tpu.sem_alloc : memref<!tpu.dma_semaphore, #tpu.memory_space<semaphore_mem>>
      %dma_start3A = arith.constant 0 : i32
      %dma_start3A_52 = tpu.memref_slice %arg10[%add3A_12, %dma_start3A] : memref<10000x128xf32, #tpu.memory_space<vmem_shared>> -> memref<125x128xf32, #tpu.memory_space<vmem_shared>>
      %dma_start3A_53 = arith.constant 0 : i32
      %dma_start3A_54 = tpu.memref_slice %arg10[%add3A_12, %dma_start3A_53] : memref<10000x128xf32, #tpu.memory_space<vmem_shared>> -> memref<125x128xf32, #tpu.memory_space<vmem_shared>>
      tpu.enqueue_dma source(%arg9 : memref<125x128xf32, #tpu.memory_space<vmem>>) target(%dma_start3A_54 : memref<125x128xf32, #tpu.memory_space<vmem_shared>>) target_semaphore(%run_scoped3A : memref<!tpu.dma_semaphore, #tpu.memory_space<semaphore_mem>>)
      %dma_wait3A = arith.constant 0 : i32
      %dma_wait3A_55 = tpu.memref_slice %arg10[%add3A_12, %dma_wait3A] : memref<10000x128xf32, #tpu.memory_space<vmem_shared>> -> memref<125x128xf32, #tpu.memory_space<vmem_shared>>
      %dma_wait3A_56 = arith.constant 0 : i32
      %dma_wait3A_57 = tpu.memref_slice %arg10[%add3A_12, %dma_wait3A_56] : memref<10000x128xf32, #tpu.memory_space<vmem_shared>> -> memref<125x128xf32, #tpu.memory_space<vmem_shared>>
      tpu.wait_dma2 semaphore(%run_scoped3A : memref<!tpu.dma_semaphore, #tpu.memory_space<semaphore_mem>>) src(%arg9 : memref<125x128xf32, #tpu.memory_space<vmem>>) dst(%dma_wait3A_57 : memref<125x128xf32, #tpu.memory_space<vmem_shared>>)
      tpu.yield
    }) : () -> ()
    %add3A_13 = arith.constant 250 : i32
    %add3A_14 = arith.addi %mul3A_8, %add3A_13 : i32
    "tpu.region"() ({
      %run_scoped3A = tpu.sem_alloc : memref<!tpu.dma_semaphore, #tpu.memory_space<semaphore_mem>>
      %dma_start3A = arith.constant 0 : i32
      %dma_start3A_52 = tpu.memref_slice %arg10[%add3A_14, %dma_start3A] : memref<10000x128xf32, #tpu.memory_space<vmem_shared>> -> memref<125x128xf32, #tpu.memory_space<vmem_shared>>
      %dma_start3A_53 = arith.constant 0 : i32
      %dma_start3A_54 = tpu.memref_slice %arg10[%add3A_14, %dma_start3A_53] : memref<10000x128xf32, #tpu.memory_space<vmem_shared>> -> memref<125x128xf32, #tpu.memory_space<vmem_shared>>
      tpu.enqueue_dma source(%arg9 : memref<125x128xf32, #tpu.memory_space<vmem>>) target(%dma_start3A_54 : memref<125x128xf32, #tpu.memory_space<vmem_shared>>) target_semaphore(%run_scoped3A : memref<!tpu.dma_semaphore, #tpu.memory_space<semaphore_mem>>)
      %dma_wait3A = arith.constant 0 : i32
      %dma_wait3A_55 = tpu.memref_slice %arg10[%add3A_14, %dma_wait3A] : memref<10000x128xf32, #tpu.memory_space<vmem_shared>> -> memref<125x128xf32, #tpu.memory_space<vmem_shared>>
      %dma_wait3A_56 = arith.constant 0 : i32
      %dma_wait3A_57 = tpu.memref_slice %arg10[%add3A_14, %dma_wait3A_56] : memref<10000x128xf32, #tpu.memory_space<vmem_shared>> -> memref<125x128xf32, #tpu.memory_space<vmem_shared>>
      tpu.wait_dma2 semaphore(%run_scoped3A : memref<!tpu.dma_semaphore, #tpu.memory_space<semaphore_mem>>) src(%arg9 : memref<125x128xf32, #tpu.memory_space<vmem>>) dst(%dma_wait3A_57 : memref<125x128xf32, #tpu.memory_space<vmem_shared>>)
      tpu.yield
    }) : () -> ()
    %add3A_15 = arith.constant 375 : i32
    %add3A_16 = arith.addi %mul3A_8, %add3A_15 : i32
    "tpu.region"() ({
      %run_scoped3A = tpu.sem_alloc : memref<!tpu.dma_semaphore, #tpu.memory_space<semaphore_mem>>
      %dma_start3A = arith.constant 0 : i32
      %dma_start3A_52 = tpu.memref_slice %arg10[%add3A_16, %dma_start3A] : memref<10000x128xf32, #tpu.memory_space<vmem_shared>> -> memref<125x128xf32, #tpu.memory_space<vmem_shared>>
      %dma_start3A_53 = arith.constant 0 : i32
      %dma_start3A_54 = tpu.memref_slice %arg10[%add3A_16, %dma_start3A_53] : memref<10000x128xf32, #tpu.memory_space<vmem_shared>> -> memref<125x128xf32, #tpu.memory_space<vmem_shared>>
      tpu.enqueue_dma source(%arg9 : memref<125x128xf32, #tpu.memory_space<vmem>>) target(%dma_start3A_54 : memref<125x128xf32, #tpu.memory_space<vmem_shared>>) target_semaphore(%run_scoped3A : memref<!tpu.dma_semaphore, #tpu.memory_space<semaphore_mem>>)
      %dma_wait3A = arith.constant 0 : i32
      %dma_wait3A_55 = tpu.memref_slice %arg10[%add3A_16, %dma_wait3A] : memref<10000x128xf32, #tpu.memory_space<vmem_shared>> -> memref<125x128xf32, #tpu.memory_space<vmem_shared>>
      %dma_wait3A_56 = arith.constant 0 : i32
      %dma_wait3A_57 = tpu.memref_slice %arg10[%add3A_16, %dma_wait3A_56] : memref<10000x128xf32, #tpu.memory_space<vmem_shared>> -> memref<125x128xf32, #tpu.memory_space<vmem_shared>>
      tpu.wait_dma2 semaphore(%run_scoped3A : memref<!tpu.dma_semaphore, #tpu.memory_space<semaphore_mem>>) src(%arg9 : memref<125x128xf32, #tpu.memory_space<vmem>>) dst(%dma_wait3A_57 : memref<125x128xf32, #tpu.memory_space<vmem_shared>>)
      tpu.yield
    }) : () -> ()
    %add3A_17 = arith.constant 500 : i32
    %add3A_18 = arith.addi %mul3A_8, %add3A_17 : i32
    "tpu.region"() ({
      %run_scoped3A = tpu.sem_alloc : memref<!tpu.dma_semaphore, #tpu.memory_space<semaphore_mem>>
      %dma_start3A = arith.constant 0 : i32
      %dma_start3A_52 = tpu.memref_slice %arg10[%add3A_18, %dma_start3A] : memref<10000x128xf32, #tpu.memory_space<vmem_shared>> -> memref<125x128xf32, #tpu.memory_space<vmem_shared>>
      %dma_start3A_53 = arith.constant 0 : i32
      %dma_start3A_54 = tpu.memref_slice %arg10[%add3A_18, %dma_start3A_53] : memref<10000x128xf32, #tpu.memory_space<vmem_shared>> -> memref<125x128xf32, #tpu.memory_space<vmem_shared>>
      tpu.enqueue_dma source(%arg9 : memref<125x128xf32, #tpu.memory_space<vmem>>) target(%dma_start3A_54 : memref<125x128xf32, #tpu.memory_space<vmem_shared>>) target_semaphore(%run_scoped3A : memref<!tpu.dma_semaphore, #tpu.memory_space<semaphore_mem>>)
      %dma_wait3A = arith.constant 0 : i32
      %dma_wait3A_55 = tpu.memref_slice %arg10[%add3A_18, %dma_wait3A] : memref<10000x128xf32, #tpu.memory_space<vmem_shared>> -> memref<125x128xf32, #tpu.memory_space<vmem_shared>>
      %dma_wait3A_56 = arith.constant 0 : i32
      %dma_wait3A_57 = tpu.memref_slice %arg10[%add3A_18, %dma_wait3A_56] : memref<10000x128xf32, #tpu.memory_space<vmem_shared>> -> memref<125x128xf32, #tpu.memory_space<vmem_shared>>
      tpu.wait_dma2 semaphore(%run_scoped3A : memref<!tpu.dma_semaphore, #tpu.memory_space<semaphore_mem>>) src(%arg9 : memref<125x128xf32, #tpu.memory_space<vmem>>) dst(%dma_wait3A_57 : memref<125x128xf32, #tpu.memory_space<vmem_shared>>)
      tpu.yield
    }) : () -> ()
    %barrier3A = arith.constant 0 : index
    tpu.barrier barrier_id(%barrier3A)
    %mul3A_19 = arith.constant 10000 : i32
    %mul3A_20 = arith.muli %add3A, %mul3A_19 : i32
    %scan3A_21 = arith.constant 0 : i32
    %scan3A_22 = arith.constant 0 : i32
    %scan3A_23 = arith.constant 125 : i32
    %scan3A_24 = arith.addi %scan3A_22, %scan3A_23 : i32
    %scan3A_25 = arith.constant 1 : i32
    %scan3A_26 = scf.for %scan3A_52 = %scan3A_22 to %scan3A_24 step %scan3A_25 iter_args(%scan3A_53 = %scan3A_21) -> (i32)  : i32 {
      %mul3A_54 = arith.constant 80 : i32
      %mul3A_55 = arith.muli %scan3A_52, %mul3A_54 : i32
      %add3A_56 = arith.addi %mul3A_20, %mul3A_55 : i32
      "tpu.region"() ({
        %run_scoped3A = tpu.sem_alloc : memref<!tpu.dma_semaphore, #tpu.memory_space<semaphore_mem>>
        %dma_start3A_62 = tpu.memref_slice %arg3[%add3A_56] : memref<320000xi32, #tpu.memory_space<hbm>> -> memref<80xi32, #tpu.memory_space<hbm>>
        %dma_start3A_63 = tpu.memref_slice %arg3[%add3A_56] : memref<320000xi32, #tpu.memory_space<hbm>> -> memref<80xi32, #tpu.memory_space<hbm>>
        tpu.enqueue_dma source(%dma_start3A_63 : memref<80xi32, #tpu.memory_space<hbm>>) target(%arg6 : memref<80xi32, #tpu.memory_space<vmem>>) target_semaphore(%run_scoped3A : memref<!tpu.dma_semaphore, #tpu.memory_space<semaphore_mem>>)
        %dma_wait3A_64 = tpu.memref_slice %arg3[%add3A_56] : memref<320000xi32, #tpu.memory_space<hbm>> -> memref<80xi32, #tpu.memory_space<hbm>>
        %dma_wait3A_65 = tpu.memref_slice %arg3[%add3A_56] : memref<320000xi32, #tpu.memory_space<hbm>> -> memref<80xi32, #tpu.memory_space<hbm>>
        tpu.wait_dma2 semaphore(%run_scoped3A : memref<!tpu.dma_semaphore, #tpu.memory_space<semaphore_mem>>) src(%dma_wait3A_65 : memref<80xi32, #tpu.memory_space<hbm>>) dst(%arg6 : memref<80xi32, #tpu.memory_space<vmem>>)
        tpu.yield
      }) : () -> ()
      "tpu.region"() ({
        %run_scoped3A = tpu.sem_alloc : memref<!tpu.dma_semaphore, #tpu.memory_space<semaphore_mem>>
        %dma_start3A_62 = tpu.memref_slice %arg4[%add3A_56] : memref<320000xi32, #tpu.memory_space<hbm>> -> memref<80xi32, #tpu.memory_space<hbm>>
        %dma_start3A_63 = tpu.memref_slice %arg4[%add3A_56] : memref<320000xi32, #tpu.memory_space<hbm>> -> memref<80xi32, #tpu.memory_space<hbm>>
        tpu.enqueue_dma source(%dma_start3A_63 : memref<80xi32, #tpu.memory_space<hbm>>) target(%arg7 : memref<80xi32, #tpu.memory_space<vmem>>) target_semaphore(%run_scoped3A : memref<!tpu.dma_semaphore, #tpu.memory_space<semaphore_mem>>)
        %dma_wait3A_64 = tpu.memref_slice %arg4[%add3A_56] : memref<320000xi32, #tpu.memory_space<hbm>> -> memref<80xi32, #tpu.memory_space<hbm>>
        %dma_wait3A_65 = tpu.memref_slice %arg4[%add3A_56] : memref<320000xi32, #tpu.memory_space<hbm>> -> memref<80xi32, #tpu.memory_space<hbm>>
        tpu.wait_dma2 semaphore(%run_scoped3A : memref<!tpu.dma_semaphore, #tpu.memory_space<semaphore_mem>>) src(%dma_wait3A_65 : memref<80xi32, #tpu.memory_space<hbm>>) dst(%arg7 : memref<80xi32, #tpu.memory_space<vmem>>)
        tpu.yield
      }) : () -> ()
      %dma_start3A = arith.constant 0 : i32
      %dma_start3A_57 = arith.constant 0 : i32
      %dma_start3A_58 = tpu.memref_slice %arg2[%dma_start3A, %dma_start3A_57] : memref<10000x128xf32, #tpu.memory_space<hbm>> -> memref<10000x128xf32, #tpu.memory_space<hbm>>
      tpu.enqueue_indirect_dma source(%dma_start3A_58 : memref<10000x128xf32, #tpu.memory_space<hbm>>) target(%arg8 : memref<80x128xf32, #tpu.memory_space<vmem>>) offsets(%arg6 : memref<80xi32, #tpu.memory_space<vmem>>) semaphore(%arg11 : memref<!tpu.dma_semaphore, #tpu.memory_space<semaphore_mem>>)
      %dma_wait3A = arith.constant 0 : i32
      %dma_wait3A_59 = arith.constant 0 : i32
      %dma_wait3A_60 = tpu.memref_slice %arg2[%dma_wait3A, %dma_wait3A_59] : memref<10000x128xf32, #tpu.memory_space<hbm>> -> memref<10000x128xf32, #tpu.memory_space<hbm>>
      tpu.wait_indirect_dma semaphore(%arg11 : memref<!tpu.dma_semaphore, #tpu.memory_space<semaphore_mem>>) src(%dma_wait3A_60 : memref<10000x128xf32, #tpu.memory_space<hbm>>) dst(%arg8 : memref<80x128xf32, #tpu.memory_space<vmem>>)
      "tpu.region"() ({
        %run_scoped3A = tpu.sem_alloc : memref<!tpu.dma_semaphore, #tpu.memory_space<semaphore_mem>>
        %dma_start3A_62 = arith.constant 0 : i32
        %dma_start3A_63 = arith.constant 0 : i32
        %dma_start3A_64 = tpu.memref_slice %arg10[%dma_start3A_62, %dma_start3A_63] : memref<10000x128xf32, #tpu.memory_space<vmem_shared>> -> memref<10000x128xf32, #tpu.memory_space<vmem_shared>>
        tpu.enqueue_indirect_dma source(%arg8 : memref<80x128xf32, #tpu.memory_space<vmem>>) target(%dma_start3A_64 : memref<10000x128xf32, #tpu.memory_space<vmem_shared>>) offsets(%arg7 : memref<80xi32, #tpu.memory_space<vmem>>) semaphore(%run_scoped3A : memref<!tpu.dma_semaphore, #tpu.memory_space<semaphore_mem>>) {add = true}
        %dma_wait3A_65 = arith.constant 0 : i32
        %dma_wait3A_66 = arith.constant 0 : i32
        %dma_wait3A_67 = tpu.memref_slice %arg10[%dma_wait3A_65, %dma_wait3A_66] : memref<10000x128xf32, #tpu.memory_space<vmem_shared>> -> memref<10000x128xf32, #tpu.memory_space<vmem_shared>>
        tpu.wait_indirect_dma semaphore(%run_scoped3A : memref<!tpu.dma_semaphore, #tpu.memory_space<semaphore_mem>>) src(%arg8 : memref<80x128xf32, #tpu.memory_space<vmem>>) dst(%dma_wait3A_67 : memref<10000x128xf32, #tpu.memory_space<vmem_shared>>)
        tpu.yield
      }) : () -> ()
      %scan3A_61 = arith.constant 0 : i32
      scf.yield %scan3A_61 : i32
    }
    %scan3A_27 = arith.constant 125 : i32
    %barrier3A_28 = arith.constant 0 : index
    tpu.barrier barrier_id(%barrier3A_28)
    %mul3A_29 = arith.constant 10000 : i32
    %mul3A_30 = arith.muli %arg0, %mul3A_29 : i32
    %add3A_31 = arith.addi %mul3A_30, %mul3A_8 : i32
    %add3A_32 = arith.constant 0 : i32
    %add3A_33 = arith.addi %mul3A_8, %add3A_32 : i32
    "tpu.region"() ({
      %run_scoped3A = tpu.sem_alloc : memref<!tpu.dma_semaphore, #tpu.memory_space<semaphore_mem>>
      %dma_start3A = arith.constant 0 : i32
      %dma_start3A_52 = tpu.memref_slice %arg10[%add3A_33, %dma_start3A] : memref<10000x128xf32, #tpu.memory_space<vmem_shared>> -> memref<125x128xf32, #tpu.memory_space<vmem_shared>>
      %dma_start3A_53 = arith.constant 0 : i32
      %dma_start3A_54 = tpu.memref_slice %arg10[%add3A_33, %dma_start3A_53] : memref<10000x128xf32, #tpu.memory_space<vmem_shared>> -> memref<125x128xf32, #tpu.memory_space<vmem_shared>>
      tpu.enqueue_dma source(%dma_start3A_54 : memref<125x128xf32, #tpu.memory_space<vmem_shared>>) target(%arg9 : memref<125x128xf32, #tpu.memory_space<vmem>>) target_semaphore(%run_scoped3A : memref<!tpu.dma_semaphore, #tpu.memory_space<semaphore_mem>>)
      %dma_wait3A = arith.constant 0 : i32
      %dma_wait3A_55 = tpu.memref_slice %arg10[%add3A_33, %dma_wait3A] : memref<10000x128xf32, #tpu.memory_space<vmem_shared>> -> memref<125x128xf32, #tpu.memory_space<vmem_shared>>
      %dma_wait3A_56 = arith.constant 0 : i32
      %dma_wait3A_57 = tpu.memref_slice %arg10[%add3A_33, %dma_wait3A_56] : memref<10000x128xf32, #tpu.memory_space<vmem_shared>> -> memref<125x128xf32, #tpu.memory_space<vmem_shared>>
      tpu.wait_dma2 semaphore(%run_scoped3A : memref<!tpu.dma_semaphore, #tpu.memory_space<semaphore_mem>>) src(%dma_wait3A_57 : memref<125x128xf32, #tpu.memory_space<vmem_shared>>) dst(%arg9 : memref<125x128xf32, #tpu.memory_space<vmem>>)
      tpu.yield
    }) : () -> ()
    %add3A_34 = arith.constant 0 : i32
    %add3A_35 = arith.addi %add3A_31, %add3A_34 : i32
    "tpu.region"() ({
      %run_scoped3A = tpu.sem_alloc : memref<!tpu.dma_semaphore, #tpu.memory_space<semaphore_mem>>
      %dma_start3A = arith.constant 0 : i32
      %dma_start3A_52 = tpu.memref_slice %arg5[%add3A_35, %dma_start3A] : memref<20000x128xf32, #tpu.memory_space<hbm>> -> memref<125x128xf32, #tpu.memory_space<hbm>>
      %dma_start3A_53 = arith.constant 0 : i32
      %dma_start3A_54 = tpu.memref_slice %arg5[%add3A_35, %dma_start3A_53] : memref<20000x128xf32, #tpu.memory_space<hbm>> -> memref<125x128xf32, #tpu.memory_space<hbm>>
      tpu.enqueue_dma source(%arg9 : memref<125x128xf32, #tpu.memory_space<vmem>>) target(%dma_start3A_54 : memref<125x128xf32, #tpu.memory_space<hbm>>) target_semaphore(%run_scoped3A : memref<!tpu.dma_semaphore, #tpu.memory_space<semaphore_mem>>)
      %dma_wait3A = arith.constant 0 : i32
      %dma_wait3A_55 = tpu.memref_slice %arg5[%add3A_35, %dma_wait3A] : memref<20000x128xf32, #tpu.memory_space<hbm>> -> memref<125x128xf32, #tpu.memory_space<hbm>>
      %dma_wait3A_56 = arith.constant 0 : i32
      %dma_wait3A_57 = tpu.memref_slice %arg5[%add3A_35, %dma_wait3A_56] : memref<20000x128xf32, #tpu.memory_space<hbm>> -> memref<125x128xf32, #tpu.memory_space<hbm>>
      tpu.wait_dma2 semaphore(%run_scoped3A : memref<!tpu.dma_semaphore, #tpu.memory_space<semaphore_mem>>) src(%arg9 : memref<125x128xf32, #tpu.memory_space<vmem>>) dst(%dma_wait3A_57 : memref<125x128xf32, #tpu.memory_space<hbm>>)
      tpu.yield
    }) : () -> ()
    %add3A_36 = arith.constant 125 : i32
    %add3A_37 = arith.addi %mul3A_8, %add3A_36 : i32
    "tpu.region"() ({
      %run_scoped3A = tpu.sem_alloc : memref<!tpu.dma_semaphore, #tpu.memory_space<semaphore_mem>>
      %dma_start3A = arith.constant 0 : i32
      %dma_start3A_52 = tpu.memref_slice %arg10[%add3A_37, %dma_start3A] : memref<10000x128xf32, #tpu.memory_space<vmem_shared>> -> memref<125x128xf32, #tpu.memory_space<vmem_shared>>
      %dma_start3A_53 = arith.constant 0 : i32
      %dma_start3A_54 = tpu.memref_slice %arg10[%add3A_37, %dma_start3A_53] : memref<10000x128xf32, #tpu.memory_space<vmem_shared>> -> memref<125x128xf32, #tpu.memory_space<vmem_shared>>
      tpu.enqueue_dma source(%dma_start3A_54 : memref<125x128xf32, #tpu.memory_space<vmem_shared>>) target(%arg9 : memref<125x128xf32, #tpu.memory_space<vmem>>) target_semaphore(%run_scoped3A : memref<!tpu.dma_semaphore, #tpu.memory_space<semaphore_mem>>)
      %dma_wait3A = arith.constant 0 : i32
      %dma_wait3A_55 = tpu.memref_slice %arg10[%add3A_37, %dma_wait3A] : memref<10000x128xf32, #tpu.memory_space<vmem_shared>> -> memref<125x128xf32, #tpu.memory_space<vmem_shared>>
      %dma_wait3A_56 = arith.constant 0 : i32
      %dma_wait3A_57 = tpu.memref_slice %arg10[%add3A_37, %dma_wait3A_56] : memref<10000x128xf32, #tpu.memory_space<vmem_shared>> -> memref<125x128xf32, #tpu.memory_space<vmem_shared>>
      tpu.wait_dma2 semaphore(%run_scoped3A : memref<!tpu.dma_semaphore, #tpu.memory_space<semaphore_mem>>) src(%dma_wait3A_57 : memref<125x128xf32, #tpu.memory_space<vmem_shared>>) dst(%arg9 : memref<125x128xf32, #tpu.memory_space<vmem>>)
      tpu.yield
    }) : () -> ()
    %add3A_38 = arith.constant 125 : i32
    %add3A_39 = arith.addi %add3A_31, %add3A_38 : i32
    "tpu.region"() ({
      %run_scoped3A = tpu.sem_alloc : memref<!tpu.dma_semaphore, #tpu.memory_space<semaphore_mem>>
      %dma_start3A = arith.constant 0 : i32
      %dma_start3A_52 = tpu.memref_slice %arg5[%add3A_39, %dma_start3A] : memref<20000x128xf32, #tpu.memory_space<hbm>> -> memref<125x128xf32, #tpu.memory_space<hbm>>
      %dma_start3A_53 = arith.constant 0 : i32
      %dma_start3A_54 = tpu.memref_slice %arg5[%add3A_39, %dma_start3A_53] : memref<20000x128xf32, #tpu.memory_space<hbm>> -> memref<125x128xf32, #tpu.memory_space<hbm>>
      tpu.enqueue_dma source(%arg9 : memref<125x128xf32, #tpu.memory_space<vmem>>) target(%dma_start3A_54 : memref<125x128xf32, #tpu.memory_space<hbm>>) target_semaphore(%run_scoped3A : memref<!tpu.dma_semaphore, #tpu.memory_space<semaphore_mem>>)
      %dma_wait3A = arith.constant 0 : i32
      %dma_wait3A_55 = tpu.memref_slice %arg5[%add3A_39, %dma_wait3A] : memref<20000x128xf32, #tpu.memory_space<hbm>> -> memref<125x128xf32, #tpu.memory_space<hbm>>
      %dma_wait3A_56 = arith.constant 0 : i32
      %dma_wait3A_57 = tpu.memref_slice %arg5[%add3A_39, %dma_wait3A_56] : memref<20000x128xf32, #tpu.memory_space<hbm>> -> memref<125x128xf32, #tpu.memory_space<hbm>>
      tpu.wait_dma2 semaphore(%run_scoped3A : memref<!tpu.dma_semaphore, #tpu.memory_space<semaphore_mem>>) src(%arg9 : memref<125x128xf32, #tpu.memory_space<vmem>>) dst(%dma_wait3A_57 : memref<125x128xf32, #tpu.memory_space<hbm>>)
      tpu.yield
    }) : () -> ()
    %add3A_40 = arith.constant 250 : i32
    %add3A_41 = arith.addi %mul3A_8, %add3A_40 : i32
    "tpu.region"() ({
      %run_scoped3A = tpu.sem_alloc : memref<!tpu.dma_semaphore, #tpu.memory_space<semaphore_mem>>
      %dma_start3A = arith.constant 0 : i32
      %dma_start3A_52 = tpu.memref_slice %arg10[%add3A_41, %dma_start3A] : memref<10000x128xf32, #tpu.memory_space<vmem_shared>> -> memref<125x128xf32, #tpu.memory_space<vmem_shared>>
      %dma_start3A_53 = arith.constant 0 : i32
      %dma_start3A_54 = tpu.memref_slice %arg10[%add3A_41, %dma_start3A_53] : memref<10000x128xf32, #tpu.memory_space<vmem_shared>> -> memref<125x128xf32, #tpu.memory_space<vmem_shared>>
      tpu.enqueue_dma source(%dma_start3A_54 : memref<125x128xf32, #tpu.memory_space<vmem_shared>>) target(%arg9 : memref<125x128xf32, #tpu.memory_space<vmem>>) target_semaphore(%run_scoped3A : memref<!tpu.dma_semaphore, #tpu.memory_space<semaphore_mem>>)
      %dma_wait3A = arith.constant 0 : i32
      %dma_wait3A_55 = tpu.memref_slice %arg10[%add3A_41, %dma_wait3A] : memref<10000x128xf32, #tpu.memory_space<vmem_shared>> -> memref<125x128xf32, #tpu.memory_space<vmem_shared>>
      %dma_wait3A_56 = arith.constant 0 : i32
      %dma_wait3A_57 = tpu.memref_slice %arg10[%add3A_41, %dma_wait3A_56] : memref<10000x128xf32, #tpu.memory_space<vmem_shared>> -> memref<125x128xf32, #tpu.memory_space<vmem_shared>>
      tpu.wait_dma2 semaphore(%run_scoped3A : memref<!tpu.dma_semaphore, #tpu.memory_space<semaphore_mem>>) src(%dma_wait3A_57 : memref<125x128xf32, #tpu.memory_space<vmem_shared>>) dst(%arg9 : memref<125x128xf32, #tpu.memory_space<vmem>>)
      tpu.yield
    }) : () -> ()
    %add3A_42 = arith.constant 250 : i32
    %add3A_43 = arith.addi %add3A_31, %add3A_42 : i32
    "tpu.region"() ({
      %run_scoped3A = tpu.sem_alloc : memref<!tpu.dma_semaphore, #tpu.memory_space<semaphore_mem>>
      %dma_start3A = arith.constant 0 : i32
      %dma_start3A_52 = tpu.memref_slice %arg5[%add3A_43, %dma_start3A] : memref<20000x128xf32, #tpu.memory_space<hbm>> -> memref<125x128xf32, #tpu.memory_space<hbm>>
      %dma_start3A_53 = arith.constant 0 : i32
      %dma_start3A_54 = tpu.memref_slice %arg5[%add3A_43, %dma_start3A_53] : memref<20000x128xf32, #tpu.memory_space<hbm>> -> memref<125x128xf32, #tpu.memory_space<hbm>>
      tpu.enqueue_dma source(%arg9 : memref<125x128xf32, #tpu.memory_space<vmem>>) target(%dma_start3A_54 : memref<125x128xf32, #tpu.memory_space<hbm>>) target_semaphore(%run_scoped3A : memref<!tpu.dma_semaphore, #tpu.memory_space<semaphore_mem>>)
      %dma_wait3A = arith.constant 0 : i32
      %dma_wait3A_55 = tpu.memref_slice %arg5[%add3A_43, %dma_wait3A] : memref<20000x128xf32, #tpu.memory_space<hbm>> -> memref<125x128xf32, #tpu.memory_space<hbm>>
      %dma_wait3A_56 = arith.constant 0 : i32
      %dma_wait3A_57 = tpu.memref_slice %arg5[%add3A_43, %dma_wait3A_56] : memref<20000x128xf32, #tpu.memory_space<hbm>> -> memref<125x128xf32, #tpu.memory_space<hbm>>
      tpu.wait_dma2 semaphore(%run_scoped3A : memref<!tpu.dma_semaphore, #tpu.memory_space<semaphore_mem>>) src(%arg9 : memref<125x128xf32, #tpu.memory_space<vmem>>) dst(%dma_wait3A_57 : memref<125x128xf32, #tpu.memory_space<hbm>>)
      tpu.yield
    }) : () -> ()
    %add3A_44 = arith.constant 375 : i32
    %add3A_45 = arith.addi %mul3A_8, %add3A_44 : i32
    "tpu.region"() ({
      %run_scoped3A = tpu.sem_alloc : memref<!tpu.dma_semaphore, #tpu.memory_space<semaphore_mem>>
      %dma_start3A = arith.constant 0 : i32
      %dma_start3A_52 = tpu.memref_slice %arg10[%add3A_45, %dma_start3A] : memref<10000x128xf32, #tpu.memory_space<vmem_shared>> -> memref<125x128xf32, #tpu.memory_space<vmem_shared>>
      %dma_start3A_53 = arith.constant 0 : i32
      %dma_start3A_54 = tpu.memref_slice %arg10[%add3A_45, %dma_start3A_53] : memref<10000x128xf32, #tpu.memory_space<vmem_shared>> -> memref<125x128xf32, #tpu.memory_space<vmem_shared>>
      tpu.enqueue_dma source(%dma_start3A_54 : memref<125x128xf32, #tpu.memory_space<vmem_shared>>) target(%arg9 : memref<125x128xf32, #tpu.memory_space<vmem>>) target_semaphore(%run_scoped3A : memref<!tpu.dma_semaphore, #tpu.memory_space<semaphore_mem>>)
      %dma_wait3A = arith.constant 0 : i32
      %dma_wait3A_55 = tpu.memref_slice %arg10[%add3A_45, %dma_wait3A] : memref<10000x128xf32, #tpu.memory_space<vmem_shared>> -> memref<125x128xf32, #tpu.memory_space<vmem_shared>>
      %dma_wait3A_56 = arith.constant 0 : i32
      %dma_wait3A_57 = tpu.memref_slice %arg10[%add3A_45, %dma_wait3A_56] : memref<10000x128xf32, #tpu.memory_space<vmem_shared>> -> memref<125x128xf32, #tpu.memory_space<vmem_shared>>
      tpu.wait_dma2 semaphore(%run_scoped3A : memref<!tpu.dma_semaphore, #tpu.memory_space<semaphore_mem>>) src(%dma_wait3A_57 : memref<125x128xf32, #tpu.memory_space<vmem_shared>>) dst(%arg9 : memref<125x128xf32, #tpu.memory_space<vmem>>)
      tpu.yield
    }) : () -> ()
    %add3A_46 = arith.constant 375 : i32
    %add3A_47 = arith.addi %add3A_31, %add3A_46 : i32
    "tpu.region"() ({
      %run_scoped3A = tpu.sem_alloc : memref<!tpu.dma_semaphore, #tpu.memory_space<semaphore_mem>>
      %dma_start3A = arith.constant 0 : i32
      %dma_start3A_52 = tpu.memref_slice %arg5[%add3A_47, %dma_start3A] : memref<20000x128xf32, #tpu.memory_space<hbm>> -> memref<125x128xf32, #tpu.memory_space<hbm>>
      %dma_start3A_53 = arith.constant 0 : i32
      %dma_start3A_54 = tpu.memref_slice %arg5[%add3A_47, %dma_start3A_53] : memref<20000x128xf32, #tpu.memory_space<hbm>> -> memref<125x128xf32, #tpu.memory_space<hbm>>
      tpu.enqueue_dma source(%arg9 : memref<125x128xf32, #tpu.memory_space<vmem>>) target(%dma_start3A_54 : memref<125x128xf32, #tpu.memory_space<hbm>>) target_semaphore(%run_scoped3A : memref<!tpu.dma_semaphore, #tpu.memory_space<semaphore_mem>>)
      %dma_wait3A = arith.constant 0 : i32
      %dma_wait3A_55 = tpu.memref_slice %arg5[%add3A_47, %dma_wait3A] : memref<20000x128xf32, #tpu.memory_space<hbm>> -> memref<125x128xf32, #tpu.memory_space<hbm>>
      %dma_wait3A_56 = arith.constant 0 : i32
      %dma_wait3A_57 = tpu.memref_slice %arg5[%add3A_47, %dma_wait3A_56] : memref<20000x128xf32, #tpu.memory_space<hbm>> -> memref<125x128xf32, #tpu.memory_space<hbm>>
      tpu.wait_dma2 semaphore(%run_scoped3A : memref<!tpu.dma_semaphore, #tpu.memory_space<semaphore_mem>>) src(%arg9 : memref<125x128xf32, #tpu.memory_space<vmem>>) dst(%dma_wait3A_57 : memref<125x128xf32, #tpu.memory_space<hbm>>)
      tpu.yield
    }) : () -> ()
    %add3A_48 = arith.constant 500 : i32
    %add3A_49 = arith.addi %mul3A_8, %add3A_48 : i32
    "tpu.region"() ({
      %run_scoped3A = tpu.sem_alloc : memref<!tpu.dma_semaphore, #tpu.memory_space<semaphore_mem>>
      %dma_start3A = arith.constant 0 : i32
      %dma_start3A_52 = tpu.memref_slice %arg10[%add3A_49, %dma_start3A] : memref<10000x128xf32, #tpu.memory_space<vmem_shared>> -> memref<125x128xf32, #tpu.memory_space<vmem_shared>>
      %dma_start3A_53 = arith.constant 0 : i32
      %dma_start3A_54 = tpu.memref_slice %arg10[%add3A_49, %dma_start3A_53] : memref<10000x128xf32, #tpu.memory_space<vmem_shared>> -> memref<125x128xf32, #tpu.memory_space<vmem_shared>>
      tpu.enqueue_dma source(%dma_start3A_54 : memref<125x128xf32, #tpu.memory_space<vmem_shared>>) target(%arg9 : memref<125x128xf32, #tpu.memory_space<vmem>>) target_semaphore(%run_scoped3A : memref<!tpu.dma_semaphore, #tpu.memory_space<semaphore_mem>>)
      %dma_wait3A = arith.constant 0 : i32
      %dma_wait3A_55 = tpu.memref_slice %arg10[%add3A_49, %dma_wait3A] : memref<10000x128xf32, #tpu.memory_space<vmem_shared>> -> memref<125x128xf32, #tpu.memory_space<vmem_shared>>
      %dma_wait3A_56 = arith.constant 0 : i32
      %dma_wait3A_57 = tpu.memref_slice %arg10[%add3A_49, %dma_wait3A_56] : memref<10000x128xf32, #tpu.memory_space<vmem_shared>> -> memref<125x128xf32, #tpu.memory_space<vmem_shared>>
      tpu.wait_dma2 semaphore(%run_scoped3A : memref<!tpu.dma_semaphore, #tpu.memory_space<semaphore_mem>>) src(%dma_wait3A_57 : memref<125x128xf32, #tpu.memory_space<vmem_shared>>) dst(%arg9 : memref<125x128xf32, #tpu.memory_space<vmem>>)
      tpu.yield
    }) : () -> ()
    %add3A_50 = arith.constant 500 : i32
    %add3A_51 = arith.addi %add3A_31, %add3A_50 : i32
    "tpu.region"() ({
      %run_scoped3A = tpu.sem_alloc : memref<!tpu.dma_semaphore, #tpu.memory_space<semaphore_mem>>
      %dma_start3A = arith.constant 0 : i32
      %dma_start3A_52 = tpu.memref_slice %arg5[%add3A_51, %dma_start3A] : memref<20000x128xf32, #tpu.memory_space<hbm>> -> memref<125x128xf32, #tpu.memory_space<hbm>>
      %dma_start3A_53 = arith.constant 0 : i32
      %dma_start3A_54 = tpu.memref_slice %arg5[%add3A_51, %dma_start3A_53] : memref<20000x128xf32, #tpu.memory_space<hbm>> -> memref<125x128xf32, #tpu.memory_space<hbm>>
      tpu.enqueue_dma source(%arg9 : memref<125x128xf32, #tpu.memory_space<vmem>>) target(%dma_start3A_54 : memref<125x128xf32, #tpu.memory_space<hbm>>) target_semaphore(%run_scoped3A : memref<!tpu.dma_semaphore, #tpu.memory_space<semaphore_mem>>)
      %dma_wait3A = arith.constant 0 : i32
      %dma_wait3A_55 = tpu.memref_slice %arg5[%add3A_51, %dma_wait3A] : memref<20000x128xf32, #tpu.memory_space<hbm>> -> memref<125x128xf32, #tpu.memory_space<hbm>>
      %dma_wait3A_56 = arith.constant 0 : i32
      %dma_wait3A_57 = tpu.memref_slice %arg5[%add3A_51, %dma_wait3A_56] : memref<20000x128xf32, #tpu.memory_space<hbm>> -> memref<125x128xf32, #tpu.memory_space<hbm>>
      tpu.wait_dma2 semaphore(%run_scoped3A : memref<!tpu.dma_semaphore, #tpu.memory_space<semaphore_mem>>) src(%arg9 : memref<125x128xf32, #tpu.memory_space<vmem>>) dst(%dma_wait3A_57 : memref<125x128xf32, #tpu.memory_space<hbm>>)
      tpu.yield
    }) : () -> ()
    return
  }
}

module attributes {stable_mosaic.version = 14 : i64} {
  func.func @_tc_layer1(%arg0: i32, %arg1: memref<400x128xf32, #tpu.memory_space<vmem>>, %arg2: memref<400x128xf32, #tpu.memory_space<vmem>>, %arg3: memref<400x16xf32, #tpu.memory_space<vmem>>, %arg4: memref<400x16xf32, #tpu.memory_space<vmem>>, %arg5: memref<400x128xf32, #tpu.memory_space<vmem>>, %arg6: memref<128x128xf32, #tpu.memory_space<vmem>>, %arg7: memref<1x128xf32, #tpu.memory_space<vmem>>, %arg8: memref<128x128xf32, #tpu.memory_space<vmem>>, %arg9: memref<400x128xf32, #tpu.memory_space<vmem>>) attributes {dimension_semantics = [#tpu.dimension_semantics<arbitrary>], iteration_bounds = array<i64: 25>, scalar_prefetch = 0 : i64, scratch_operands = 0 : i64, tpu.core_type = #tpu.core_type<tc>, window_params = [{transform_indices = @transform_0, window_bounds = array<i64: 400, 128>}, {transform_indices = @transform_1, window_bounds = array<i64: 400, 128>}, {transform_indices = @transform_2, window_bounds = array<i64: 400, 16>}, {transform_indices = @transform_3, window_bounds = array<i64: 400, 16>}, {transform_indices = @transform_4, window_bounds = array<i64: 400, 128>}, {pipeline_mode = #tpu.pipeline_mode<synchronous>, transform_indices = @transform_5, window_bounds = array<i64: 128, 128>}, {pipeline_mode = #tpu.pipeline_mode<synchronous>, transform_indices = @transform_6, window_bounds = array<i64: 1, 128>}, {pipeline_mode = #tpu.pipeline_mode<synchronous>, transform_indices = @transform_7, window_bounds = array<i64: 128, 128>}, {transform_indices = @transform_8, window_bounds = array<i64: 400, 128>}]} {
    %get3A = arith.constant 0 : index
    %get3A_0 = arith.constant 0 : index
    %get3A_1 = vector.load %arg1[%get3A, %get3A_0] : memref<400x128xf32, #tpu.memory_space<vmem>>, vector<400x128xf32>
    %get3A_2 = arith.constant 0 : index
    %get3A_3 = arith.constant 0 : index
    %get3A_4 = vector.load %arg2[%get3A_2, %get3A_3] : memref<400x128xf32, #tpu.memory_space<vmem>>, vector<400x128xf32>
    %add3A = arith.addf %get3A_1, %get3A_4 : vector<400x128xf32>
    %get3A_5 = arith.constant 0 : index
    %get3A_6 = arith.constant 0 : index
    %get3A_7 = vector.load %arg3[%get3A_5, %get3A_6] : memref<400x16xf32, #tpu.memory_space<vmem>>, vector<400x16xf32>
    %get3A_8 = arith.constant 0 : index
    %get3A_9 = arith.constant 0 : index
    %get3A_10 = vector.load %arg4[%get3A_8, %get3A_9] : memref<400x16xf32, #tpu.memory_space<vmem>>, vector<400x16xf32>
    %add3A_11 = arith.addf %get3A_7, %get3A_10 : vector<400x16xf32>
    %slice3A = vector.extract_strided_slice %add3A_11 {offsets = [0, 0], sizes = [400, 1], strides = [1, 1]} : vector<400x16xf32> to vector<400x1xf32>
    %max3A = arith.constant 1.000000e+00 : f32
    %max3A_12 = vector.broadcast %max3A : f32 to vector<400x1xf32>
    %max3A_13 = arith.maximumf %slice3A, %max3A_12 : vector<400x1xf32>
    %div3A = arith.constant 1.000000e+00 : f32
    %div3A_14 = vector.broadcast %div3A : f32 to vector<400x1xf32>
    %div3A_15 = arith.divf %div3A_14, %max3A_13 : vector<400x1xf32>
    %mul3A = vector.broadcast %div3A_15 : vector<400x1xf32> to vector<400x128xf32>
    %mul3A_16 = arith.mulf %add3A, %mul3A : vector<400x128xf32>
    %get3A_17 = arith.constant 0 : index
    %get3A_18 = arith.constant 0 : index
    %get3A_19 = vector.load %arg6[%get3A_17, %get3A_18] : memref<128x128xf32, #tpu.memory_space<vmem>>, vector<128x128xf32>
    %dot_general3A = arith.constant dense<0.000000e+00> : vector<400x128xf32>
    %dot_general3A_20 = tpu.matmul %mul3A_16, %get3A_19, %dot_general3A {dimension_numbers = #tpu.dot_dimension_numbers<[1], [0], [0], [1], [0, 0, 1, 1], [], []>, transpose_lhs_hint = false} : vector<400x128xf32>, vector<128x128xf32>, vector<400x128xf32> -> vector<400x128xf32>
    %get3A_21 = arith.constant 0 : index
    %get3A_22 = arith.constant 0 : index
    %get3A_23 = vector.load %arg7[%get3A_21, %get3A_22] : memref<1x128xf32, #tpu.memory_space<vmem>>, vector<1x128xf32>
    %add3A_24 = vector.broadcast %get3A_23 : vector<1x128xf32> to vector<400x128xf32>
    %add3A_25 = arith.addf %dot_general3A_20, %add3A_24 : vector<400x128xf32>
    %get3A_26 = arith.constant 0 : index
    %get3A_27 = arith.constant 0 : index
    %get3A_28 = vector.load %arg5[%get3A_26, %get3A_27] : memref<400x128xf32, #tpu.memory_space<vmem>>, vector<400x128xf32>
    %get3A_29 = arith.constant 0 : index
    %get3A_30 = arith.constant 0 : index
    %get3A_31 = vector.load %arg8[%get3A_29, %get3A_30] : memref<128x128xf32, #tpu.memory_space<vmem>>, vector<128x128xf32>
    %dot_general3A_32 = arith.constant dense<0.000000e+00> : vector<400x128xf32>
    %dot_general3A_33 = tpu.matmul %get3A_28, %get3A_31, %dot_general3A_32 {dimension_numbers = #tpu.dot_dimension_numbers<[1], [0], [0], [1], [0, 0, 1, 1], [], []>, transpose_lhs_hint = false} : vector<400x128xf32>, vector<128x128xf32>, vector<400x128xf32> -> vector<400x128xf32>
    %add3A_34 = arith.addf %add3A_25, %dot_general3A_33 : vector<400x128xf32>
    %max3A_35 = arith.constant 0.000000e+00 : f32
    %max3A_36 = vector.broadcast %max3A_35 : f32 to vector<400x128xf32>
    %max3A_37 = arith.maximumf %add3A_34, %max3A_36 : vector<400x128xf32>
    %swap3A = arith.constant 0 : index
    %swap3A_38 = arith.constant 0 : index
    %swap3A_39 = vector.load %arg9[%swap3A, %swap3A_38] : memref<400x128xf32, #tpu.memory_space<vmem>>, vector<400x128xf32>
    tpu.vector_store %arg9[%swap3A, %swap3A_38], %max3A_37 {strides = array<i32>} : memref<400x128xf32, #tpu.memory_space<vmem>>, vector<400x128xf32>,
    return
  }
  func.func @transform_0(%arg0: i32) -> (i32, i32) {
    %c0_i32 = arith.constant 0 : i32
    %c0_i32_0 = arith.constant 0 : i32
    return %arg0, %c0_i32 : i32, i32
  }
  func.func @transform_1(%arg0: i32) -> (i32, i32) {
    %add3A = arith.constant 25 : i32
    %add3A_0 = arith.addi %arg0, %add3A : i32
    %c0_i32 = arith.constant 0 : i32
    %c0_i32_1 = arith.constant 0 : i32
    return %add3A_0, %c0_i32 : i32, i32
  }
  func.func @transform_2(%arg0: i32) -> (i32, i32) {
    %c0_i32 = arith.constant 0 : i32
    %c0_i32_0 = arith.constant 0 : i32
    return %arg0, %c0_i32 : i32, i32
  }
  func.func @transform_3(%arg0: i32) -> (i32, i32) {
    %add3A = arith.constant 25 : i32
    %add3A_0 = arith.addi %arg0, %add3A : i32
    %c0_i32 = arith.constant 0 : i32
    %c0_i32_1 = arith.constant 0 : i32
    return %add3A_0, %c0_i32 : i32, i32
  }
  func.func @transform_4(%arg0: i32) -> (i32, i32) {
    %c0_i32 = arith.constant 0 : i32
    %c0_i32_0 = arith.constant 0 : i32
    return %arg0, %c0_i32 : i32, i32
  }
  func.func @transform_5(%arg0: i32) -> (i32, i32) {
    %c0_i32 = arith.constant 0 : i32
    %c0_i32_0 = arith.constant 0 : i32
    %c0_i32_1 = arith.constant 0 : i32
    return %c0_i32, %c0_i32_0 : i32, i32
  }
  func.func @transform_6(%arg0: i32) -> (i32, i32) {
    %c0_i32 = arith.constant 0 : i32
    %c0_i32_0 = arith.constant 0 : i32
    %c0_i32_1 = arith.constant 0 : i32
    return %c0_i32, %c0_i32_0 : i32, i32
  }
  func.func @transform_7(%arg0: i32) -> (i32, i32) {
    %c0_i32 = arith.constant 0 : i32
    %c0_i32_0 = arith.constant 0 : i32
    %c0_i32_1 = arith.constant 0 : i32
    return %c0_i32, %c0_i32_0 : i32, i32
  }
  func.func @transform_8(%arg0: i32) -> (i32, i32) {
    %c0_i32 = arith.constant 0 : i32
    %c0_i32_0 = arith.constant 0 : i32
    return %arg0, %c0_i32 : i32, i32
  }
}

module attributes {stable_mosaic.version = 14 : i64} {
  func.func @_tc_layer2(%arg0: i32, %arg1: memref<400x128xf32, #tpu.memory_space<vmem>>, %arg2: memref<400x128xf32, #tpu.memory_space<vmem>>, %arg3: memref<400x16xf32, #tpu.memory_space<vmem>>, %arg4: memref<400x16xf32, #tpu.memory_space<vmem>>, %arg5: memref<400x128xf32, #tpu.memory_space<vmem>>, %arg6: memref<128x128xf32, #tpu.memory_space<vmem>>, %arg7: memref<1x128xf32, #tpu.memory_space<vmem>>, %arg8: memref<128x128xf32, #tpu.memory_space<vmem>>, %arg9: memref<128x64xf32, #tpu.memory_space<vmem>>, %arg10: memref<1x64xf32, #tpu.memory_space<vmem>>, %arg11: memref<64x128xf32, #tpu.memory_space<vmem>>, %arg12: memref<1x128xf32, #tpu.memory_space<vmem>>, %arg13: memref<400x128xf32, #tpu.memory_space<vmem>>) attributes {dimension_semantics = [#tpu.dimension_semantics<arbitrary>], iteration_bounds = array<i64: 25>, scalar_prefetch = 0 : i64, scratch_operands = 0 : i64, tpu.core_type = #tpu.core_type<tc>, window_params = [{transform_indices = @transform_0, window_bounds = array<i64: 400, 128>}, {transform_indices = @transform_1, window_bounds = array<i64: 400, 128>}, {transform_indices = @transform_2, window_bounds = array<i64: 400, 16>}, {transform_indices = @transform_3, window_bounds = array<i64: 400, 16>}, {transform_indices = @transform_4, window_bounds = array<i64: 400, 128>}, {pipeline_mode = #tpu.pipeline_mode<synchronous>, transform_indices = @transform_5, window_bounds = array<i64: 128, 128>}, {pipeline_mode = #tpu.pipeline_mode<synchronous>, transform_indices = @transform_6, window_bounds = array<i64: 1, 128>}, {pipeline_mode = #tpu.pipeline_mode<synchronous>, transform_indices = @transform_7, window_bounds = array<i64: 128, 128>}, {pipeline_mode = #tpu.pipeline_mode<synchronous>, transform_indices = @transform_8, window_bounds = array<i64: 128, 64>}, {pipeline_mode = #tpu.pipeline_mode<synchronous>, transform_indices = @transform_9, window_bounds = array<i64: 1, 64>}, {pipeline_mode = #tpu.pipeline_mode<synchronous>, transform_indices = @transform_10, window_bounds = array<i64: 64, 128>}, {pipeline_mode = #tpu.pipeline_mode<synchronous>, transform_indices = @transform_11, window_bounds = array<i64: 1, 128>}, {transform_indices = @transform_12, window_bounds = array<i64: 400, 128>}]} {
    %get3A = arith.constant 0 : index
    %get3A_0 = arith.constant 0 : index
    %get3A_1 = vector.load %arg1[%get3A, %get3A_0] : memref<400x128xf32, #tpu.memory_space<vmem>>, vector<400x128xf32>
    %get3A_2 = arith.constant 0 : index
    %get3A_3 = arith.constant 0 : index
    %get3A_4 = vector.load %arg2[%get3A_2, %get3A_3] : memref<400x128xf32, #tpu.memory_space<vmem>>, vector<400x128xf32>
    %add3A = arith.addf %get3A_1, %get3A_4 : vector<400x128xf32>
    %get3A_5 = arith.constant 0 : index
    %get3A_6 = arith.constant 0 : index
    %get3A_7 = vector.load %arg3[%get3A_5, %get3A_6] : memref<400x16xf32, #tpu.memory_space<vmem>>, vector<400x16xf32>
    %get3A_8 = arith.constant 0 : index
    %get3A_9 = arith.constant 0 : index
    %get3A_10 = vector.load %arg4[%get3A_8, %get3A_9] : memref<400x16xf32, #tpu.memory_space<vmem>>, vector<400x16xf32>
    %add3A_11 = arith.addf %get3A_7, %get3A_10 : vector<400x16xf32>
    %slice3A = vector.extract_strided_slice %add3A_11 {offsets = [0, 0], sizes = [400, 1], strides = [1, 1]} : vector<400x16xf32> to vector<400x1xf32>
    %max3A = arith.constant 1.000000e+00 : f32
    %max3A_12 = vector.broadcast %max3A : f32 to vector<400x1xf32>
    %max3A_13 = arith.maximumf %slice3A, %max3A_12 : vector<400x1xf32>
    %div3A = arith.constant 1.000000e+00 : f32
    %div3A_14 = vector.broadcast %div3A : f32 to vector<400x1xf32>
    %div3A_15 = arith.divf %div3A_14, %max3A_13 : vector<400x1xf32>
    %mul3A = vector.broadcast %div3A_15 : vector<400x1xf32> to vector<400x128xf32>
    %mul3A_16 = arith.mulf %add3A, %mul3A : vector<400x128xf32>
    %get3A_17 = arith.constant 0 : index
    %get3A_18 = arith.constant 0 : index
    %get3A_19 = vector.load %arg6[%get3A_17, %get3A_18] : memref<128x128xf32, #tpu.memory_space<vmem>>, vector<128x128xf32>
    %dot_general3A = arith.constant dense<0.000000e+00> : vector<400x128xf32>
    %dot_general3A_20 = tpu.matmul %mul3A_16, %get3A_19, %dot_general3A {dimension_numbers = #tpu.dot_dimension_numbers<[1], [0], [0], [1], [0, 0, 1, 1], [], []>, transpose_lhs_hint = false} : vector<400x128xf32>, vector<128x128xf32>, vector<400x128xf32> -> vector<400x128xf32>
    %get3A_21 = arith.constant 0 : index
    %get3A_22 = arith.constant 0 : index
    %get3A_23 = vector.load %arg7[%get3A_21, %get3A_22] : memref<1x128xf32, #tpu.memory_space<vmem>>, vector<1x128xf32>
    %add3A_24 = vector.broadcast %get3A_23 : vector<1x128xf32> to vector<400x128xf32>
    %add3A_25 = arith.addf %dot_general3A_20, %add3A_24 : vector<400x128xf32>
    %get3A_26 = arith.constant 0 : index
    %get3A_27 = arith.constant 0 : index
    %get3A_28 = vector.load %arg5[%get3A_26, %get3A_27] : memref<400x128xf32, #tpu.memory_space<vmem>>, vector<400x128xf32>
    %get3A_29 = arith.constant 0 : index
    %get3A_30 = arith.constant 0 : index
    %get3A_31 = vector.load %arg8[%get3A_29, %get3A_30] : memref<128x128xf32, #tpu.memory_space<vmem>>, vector<128x128xf32>
    %dot_general3A_32 = arith.constant dense<0.000000e+00> : vector<400x128xf32>
    %dot_general3A_33 = tpu.matmul %get3A_28, %get3A_31, %dot_general3A_32 {dimension_numbers = #tpu.dot_dimension_numbers<[1], [0], [0], [1], [0, 0, 1, 1], [], []>, transpose_lhs_hint = false} : vector<400x128xf32>, vector<128x128xf32>, vector<400x128xf32> -> vector<400x128xf32>
    %add3A_34 = arith.addf %add3A_25, %dot_general3A_33 : vector<400x128xf32>
    %max3A_35 = arith.constant 0.000000e+00 : f32
    %max3A_36 = vector.broadcast %max3A_35 : f32 to vector<400x128xf32>
    %max3A_37 = arith.maximumf %add3A_34, %max3A_36 : vector<400x128xf32>
    %mul3A_38 = arith.mulf %max3A_37, %max3A_37 : vector<400x128xf32>
    %reduce_sum3A = arith.constant dense<0.000000e+00> : vector<400xf32>
    %reduce_sum3A_39 = vector.multi_reduction <add>, %mul3A_38, %reduce_sum3A [1] : vector<400x128xf32> to vector<400xf32>
    %broadcast_in_dim3A = vector.shape_cast %reduce_sum3A_39 : vector<400xf32> to vector<400x1xf32>
    %sqrt3A = math.sqrt %broadcast_in_dim3A : vector<400x1xf32>
    %max3A_40 = arith.constant 9.99999996E-13 : f32
    %max3A_41 = vector.broadcast %max3A_40 : f32 to vector<400x1xf32>
    %max3A_42 = arith.maximumf %sqrt3A, %max3A_41 : vector<400x1xf32>
    %div3A_43 = vector.broadcast %max3A_42 : vector<400x1xf32> to vector<400x128xf32>
    %div3A_44 = arith.divf %max3A_37, %div3A_43 : vector<400x128xf32>
    %get3A_45 = arith.constant 0 : index
    %get3A_46 = arith.constant 0 : index
    %get3A_47 = vector.load %arg9[%get3A_45, %get3A_46] : memref<128x64xf32, #tpu.memory_space<vmem>>, vector<128x64xf32>
    %dot_general3A_48 = arith.constant dense<0.000000e+00> : vector<400x64xf32>
    %dot_general3A_49 = tpu.matmul %div3A_44, %get3A_47, %dot_general3A_48 {dimension_numbers = #tpu.dot_dimension_numbers<[1], [0], [0], [1], [0, 0, 1, 1], [], []>, transpose_lhs_hint = false} : vector<400x128xf32>, vector<128x64xf32>, vector<400x64xf32> -> vector<400x64xf32>
    %get3A_50 = arith.constant 0 : index
    %get3A_51 = arith.constant 0 : index
    %get3A_52 = vector.load %arg10[%get3A_50, %get3A_51] : memref<1x64xf32, #tpu.memory_space<vmem>>, vector<1x64xf32>
    %add3A_53 = vector.broadcast %get3A_52 : vector<1x64xf32> to vector<400x64xf32>
    %add3A_54 = arith.addf %dot_general3A_49, %add3A_53 : vector<400x64xf32>
    %max3A_55 = arith.constant 0.000000e+00 : f32
    %max3A_56 = vector.broadcast %max3A_55 : f32 to vector<400x64xf32>
    %max3A_57 = arith.maximumf %add3A_54, %max3A_56 : vector<400x64xf32>
    %get3A_58 = arith.constant 0 : index
    %get3A_59 = arith.constant 0 : index
    %get3A_60 = vector.load %arg11[%get3A_58, %get3A_59] : memref<64x128xf32, #tpu.memory_space<vmem>>, vector<64x128xf32>
    %dot_general3A_61 = arith.constant dense<0.000000e+00> : vector<400x128xf32>
    %dot_general3A_62 = tpu.matmul %max3A_57, %get3A_60, %dot_general3A_61 {dimension_numbers = #tpu.dot_dimension_numbers<[1], [0], [0], [1], [0, 0, 1, 1], [], []>, transpose_lhs_hint = false} : vector<400x64xf32>, vector<64x128xf32>, vector<400x128xf32> -> vector<400x128xf32>
    %get3A_63 = arith.constant 0 : index
    %get3A_64 = arith.constant 0 : index
    %get3A_65 = vector.load %arg12[%get3A_63, %get3A_64] : memref<1x128xf32, #tpu.memory_space<vmem>>, vector<1x128xf32>
    %add3A_66 = vector.broadcast %get3A_65 : vector<1x128xf32> to vector<400x128xf32>
    %add3A_67 = arith.addf %dot_general3A_62, %add3A_66 : vector<400x128xf32>
    %iota3A = tpu.iota {dimensions = array<i32: 1>} : vector<400x128xi32>
    %lt3A = arith.constant 4 : i32
    %lt3A_68 = vector.broadcast %lt3A : i32 to vector<400x128xi32>
    %lt3A_69 = arith.cmpi slt, %iota3A, %lt3A_68 : vector<400x128xi32>
    %jit3A = arith.constant -1.000000e+30 : f32
    %broadcast_in_dim3A_70 = vector.broadcast %jit3A : f32 to vector<400x128xf32>
    %select_n3A = arith.select %lt3A_69, %add3A_67, %broadcast_in_dim3A_70 : vector<400x128xi1>, vector<400x128xf32>
    %reduce_max3A = arith.constant dense<0xFF800000> : vector<400xf32>
    %reduce_max3A_71 = vector.multi_reduction <maximumf>, %select_n3A, %reduce_max3A [1] : vector<400x128xf32> to vector<400xf32>
    %broadcast_in_dim3A_72 = vector.shape_cast %reduce_max3A_71 : vector<400xf32> to vector<400x1xf32>
    %sub3A = vector.broadcast %broadcast_in_dim3A_72 : vector<400x1xf32> to vector<400x128xf32>
    %sub3A_73 = arith.subf %select_n3A, %sub3A : vector<400x128xf32>
    %exp3A = math.exp %sub3A_73 : vector<400x128xf32>
    %reduce_sum3A_74 = arith.constant dense<0.000000e+00> : vector<400xf32>
    %reduce_sum3A_75 = vector.multi_reduction <add>, %exp3A, %reduce_sum3A_74 [1] : vector<400x128xf32> to vector<400xf32>
    %broadcast_in_dim3A_76 = vector.shape_cast %reduce_sum3A_75 : vector<400xf32> to vector<400x1xf32>
    %div3A_77 = vector.broadcast %broadcast_in_dim3A_76 : vector<400x1xf32> to vector<400x128xf32>
    %div3A_78 = arith.divf %exp3A, %div3A_77 : vector<400x128xf32>
    %swap3A = arith.constant 0 : index
    %swap3A_79 = arith.constant 0 : index
    %swap3A_80 = vector.load %arg13[%swap3A, %swap3A_79] : memref<400x128xf32, #tpu.memory_space<vmem>>, vector<400x128xf32>
    tpu.vector_store %arg13[%swap3A, %swap3A_79], %div3A_78 {strides = array<i32>} : memref<400x128xf32, #tpu.memory_space<vmem>>, vector<400x128xf32>,
    return
  }
  func.func @transform_0(%arg0: i32) -> (i32, i32) {
    %c0_i32 = arith.constant 0 : i32
    %c0_i32_0 = arith.constant 0 : i32
    return %arg0, %c0_i32 : i32, i32
  }
  func.func @transform_1(%arg0: i32) -> (i32, i32) {
    %add3A = arith.constant 25 : i32
    %add3A_0 = arith.addi %arg0, %add3A : i32
    %c0_i32 = arith.constant 0 : i32
    %c0_i32_1 = arith.constant 0 : i32
    return %add3A_0, %c0_i32 : i32, i32
  }
  func.func @transform_2(%arg0: i32) -> (i32, i32) {
    %c0_i32 = arith.constant 0 : i32
    %c0_i32_0 = arith.constant 0 : i32
    return %arg0, %c0_i32 : i32, i32
  }
  func.func @transform_3(%arg0: i32) -> (i32, i32) {
    %add3A = arith.constant 25 : i32
    %add3A_0 = arith.addi %arg0, %add3A : i32
    %c0_i32 = arith.constant 0 : i32
    %c0_i32_1 = arith.constant 0 : i32
    return %add3A_0, %c0_i32 : i32, i32
  }
  func.func @transform_4(%arg0: i32) -> (i32, i32) {
    %c0_i32 = arith.constant 0 : i32
    %c0_i32_0 = arith.constant 0 : i32
    return %arg0, %c0_i32 : i32, i32
  }
  func.func @transform_5(%arg0: i32) -> (i32, i32) {
    %c0_i32 = arith.constant 0 : i32
    %c0_i32_0 = arith.constant 0 : i32
    %c0_i32_1 = arith.constant 0 : i32
    return %c0_i32, %c0_i32_0 : i32, i32
  }
  func.func @transform_6(%arg0: i32) -> (i32, i32) {
    %c0_i32 = arith.constant 0 : i32
    %c0_i32_0 = arith.constant 0 : i32
    %c0_i32_1 = arith.constant 0 : i32
    return %c0_i32, %c0_i32_0 : i32, i32
  }
  func.func @transform_7(%arg0: i32) -> (i32, i32) {
    %c0_i32 = arith.constant 0 : i32
    %c0_i32_0 = arith.constant 0 : i32
    %c0_i32_1 = arith.constant 0 : i32
    return %c0_i32, %c0_i32_0 : i32, i32
  }
  func.func @transform_8(%arg0: i32) -> (i32, i32) {
    %c0_i32 = arith.constant 0 : i32
    %c0_i32_0 = arith.constant 0 : i32
    %c0_i32_1 = arith.constant 0 : i32
    return %c0_i32, %c0_i32_0 : i32, i32
  }
  func.func @transform_9(%arg0: i32) -> (i32, i32) {
    %c0_i32 = arith.constant 0 : i32
    %c0_i32_0 = arith.constant 0 : i32
    %c0_i32_1 = arith.constant 0 : i32
    return %c0_i32, %c0_i32_0 : i32, i32
  }
  func.func @transform_10(%arg0: i32) -> (i32, i32) {
    %c0_i32 = arith.constant 0 : i32
    %c0_i32_0 = arith.constant 0 : i32
    %c0_i32_1 = arith.constant 0 : i32
    return %c0_i32, %c0_i32_0 : i32, i32
  }
  func.func @transform_11(%arg0: i32) -> (i32, i32) {
    %c0_i32 = arith.constant 0 : i32
    %c0_i32_0 = arith.constant 0 : i32
    %c0_i32_1 = arith.constant 0 : i32
    return %c0_i32, %c0_i32_0 : i32, i32
  }
  func.func @transform_12(%arg0: i32) -> (i32, i32) {
    %c0_i32 = arith.constant 0 : i32
    %c0_i32_0 = arith.constant 0 : i32
    return %arg0, %c0_i32 : i32, i32
  }
}

</mosaic_0001>

<sc_bundles>
// kernel: kernel.6.cloned.1.call-start
scs
__scs_entry_jumppad:
0x0: {  	(pc) =	sbr.rel $0x88, $3  }
0x1: {  	(tag) =	ssettag $0x0;
	lr =	simm.s32 $0x1  }
0x2: {  	[smem:$0x3F95] =	sst lr;
	_ =	strace $0xD0000000  }
0x3: {  	_ = 	snop  }
0x4: {  	_ = 	snop  }
0x5: {  	_ = 	snop  }
0x6: {  	_ = 	snop  }
0x7: {  	_ = 	snop  }
__scs_overlays_trampoline_lowered:
0x8: {  	[smem:$0x3FA4] =	sst s0  }
0x9: {  	[smem:$0x3FA5] =	sst s1  }
0xa: {  	[smem:$0x3FA6] =	sst s2  }
0xb: {  	[smem:$0x3FA7] =	sst s3  }
0xc: {  	[smem:$0x3FA8] =	sst s4  }
0xd: {  	[smem:$0x3FA9] =	sst s5  }
0xe: {  	[smem:$0x3FAA] =	sst s6  }
0xf: {  	[smem:$0x3FAB] =	sst s7  }
0x10: {  	[smem:$0x3FAC] =	sst s8  }
0x11: {  	[smem:$0x3FAD] =	sst s9;
	s0 =	simm.s32 @!p0 $0x0  }
0x12: {  	s1 =	sld [smem:$0x3F93];
	s0 =	simm.s32 @p0 $0x1  }
0x13: {  	[smem:$0x3FAE] =	sst s0;
	s0 =	simm.s32 @!p1 $0x0  }
0x14: {  	s2 =	sld [smem:$0x3F92];
	s0 =	simm.s32 @p1 $0x1  }
0x15: {  	[smem:$0x3FAF] =	sst s0;
	s0 =	simm.s32 @!p2 $0x0  }
0x16: {  	s3 =	sld [smem:$0x3FDB];
	s0 =	simm.s32 @p2 $0x1  }
0x17: {  	s4 =	simm.s32 $0x1BF5;
	[smem:$0x3FB1] =	sst s0  }
0x18: {  	s0 =	sld [smem:$0x3F94];
	_ =	swait.ge [sflag:s4], $0x0  }
0x19: {  	s7 =	sld [smem:$0x3F95]  }
0x1a: {  	s8 =	sadd.s32 $0xFFFFE003, lr  }
0x1b: {  	s9 =	sadd.s32 $0xFFFFFEF7, lr;
	s5 =	simm.s32 $0xFFFFFFFF;
	p2 =	slt.u32 s8, $0xFFFFF086  }
0x1c: {  	p1 =	slt.u32 s9, $0xF7A;
	s5 =	simm.s32 @!p2 $0x0  }
0x1d: {  	s5 =	simm.s32 @p1 $0x1;
	p0 =	seq.s32 s7, s2  }
0x1e: {  	s7 =	smul.u32 @!p0 $0xF7A, s2;
	p2 =	seq.s32 @!p0 s5, $0x0  }
0x1f: {  	s9 =	smul.u32 $0xF7A, s1;
	s8 =	simm.s32 @!p0 $0x1BF5;
	p2 =	por !p2, p0  }
0x20: {  	[sflag:s8] =	ssyncset.s32 @!p0 $0xFFFFF086;
	s6 =	sadd.s32 @!p0 s3, s7;
	s7 =	simm.s32 @!p0 $0x108  }
0x21: {  	s3 =	sadd.s32 s3, s9;
	s6 =	sadd.s32 @!p0 $0x88, s6;
	s7 =	simm.s32 @p2 $0x1082  }
0x22: {  	[simem:s7], [sflag:s8] =	dma.local @!p0 [hbm:s6], $0xF7A  }
0x23: {  	s9 =	sor.u32 $0xD0000000, s2;
	s6 =	simm.s32 $0x108;
	_ =	swait.ge @!p0 [sflag:s8], $0x0  }
0x24: {  	s3 =	sadd.s32 $0x88, s3;
	s6 =	simm.s32 @!p1 $0x1082;
	[sflag:s4] =	ssyncset.s32 $0xFFFFF086  }
0x25: {  	[simem:s6], [sflag:s4] =	dma.local [hbm:s3], $0xF7A  }
0x26: {  	[smem:$0x3F95] =	sst s1;
	(tag) =	ssettag s2;
	_ =	strace s9  }
0x27: {  	s1 =	sld [smem:$0x3FA5]  }
0x28: {  	s2 =	sld [smem:$0x3FA6]  }
0x29: {  	s4 =	sld [smem:$0x3FA8]  }
0x2a: {  	p0 =	seq.s32 s5, $0x0;
	s5 =	sld [smem:$0x3FA9]  }
0x2b: {  	s6 =	sld [smem:$0x3FAA]  }
0x2c: {  	s7 =	sld [smem:$0x3FAB]  }
0x2d: {  	s3 =	simm.s32 $0x108;
	s8 =	sld [smem:$0x3FAC]  }
0x2e: {  	s3 =	simm.s32 @!p0 $0x1082;
	s9 =	sld [smem:$0x3FAD]  }
0x2f: {  	lr =	sadd.s32 s0, s3;
	s0 =	sld [smem:$0x3FA4]  }
0x30: {  	s3 =	sld [smem:$0x3FA7]  }
0x31: {  	[smem:$0x3FB0] =	sst s10  }
0x32: {  	s10 =	sld [smem:$0x3FAE];
	_ =	sdelay $0x3  }
0x33: {  	p0 =	seq.s32 s10, $0x1;
	s10 =	sld [smem:$0x3FB0];
	_ =	sdelay $0x3  }
0x34: {  	[smem:$0x3FB0] =	sst s10  }
0x35: {  	s10 =	sld [smem:$0x3FAF];
	_ =	sdelay $0x3  }
0x36: {  	p1 =	seq.s32 s10, $0x1;
	s10 =	sld [smem:$0x3FB0];
	_ =	sdelay $0x3  }
0x37: {  	[smem:$0x3FB0] =	sst s10  }
0x38: {  	s10 =	sld [smem:$0x3FB1]  }
0x39: {  	_ = 	snop;
	(pc) =	sbr.ind lr, $3  }
0x3a: {  	_ = 	snop  }
0x3b: {  	_ = 	snop  }
0x3c: {  	p2 =	seq.s32 s10, $0x1;
	s10 =	sld [smem:$0x3FB0]  }
0x3d: {  	_ =	shalt  }
0x3e: {  	_ =	shalt  }
0x3f: {  	_ =	shalt  }
0x40: {  	_ =	shalt  }
0x41: {  	_ =	shalt  }
0x42: {  	_ =	shalt  }
0x43: {  	_ =	shalt  }
0x44: {  	_ =	shalt  }
0x45: {  	_ =	shalt  }
0x46: {  	_ =	shalt  }
0x47: {  	_ =	shalt  }
0x48: {  	_ =	shalt  }
0x49: {  	_ =	shalt  }
0x4a: {  	_ =	shalt  }
0x4b: {  	_ =	shalt  }
0x4c: {  	_ =	shalt  }
0x4d: {  	_ =	shalt  }
0x4e: {  	_ =	shalt  }
0x4f: {  	_ =	shalt  }
0x50: {  	_ =	shalt  }
0x51: {  	_ =	shalt  }
0x52: {  	_ =	shalt  }
0x53: {  	_ =	shalt  }
0x54: {  	_ =	shalt  }
0x55: {  	_ =	shalt  }
0x56: {  	_ =	shalt  }
0x57: {  	_ =	shalt  }
0x58: {  	_ =	shalt  }
0x59: {  	_ =	shalt  }
0x5a: {  	_ =	shalt  }
0x5b: {  	_ =	shalt  }
0x5c: {  	_ =	shalt  }
0x5d: {  	_ =	shalt  }
0x5e: {  	_ =	shalt  }
0x5f: {  	_ =	shalt  }
0x60: {  	_ =	shalt  }
0x61: {  	_ =	shalt  }
0x62: {  	_ =	shalt  }
0x63: {  	_ =	shalt  }
0x64: {  	_ =	shalt  }
0x65: {  	_ =	shalt  }
0x66: {  	_ =	shalt  }
0x67: {  	_ =	shalt  }
0x68: {  	_ =	shalt  }
0x69: {  	_ =	shalt  }
0x6a: {  	_ =	shalt  }
0x6b: {  	_ =	shalt  }
0x6c: {  	_ =	shalt  }
0x6d: {  	_ =	shalt  }
0x6e: {  	_ =	shalt  }
0x6f: {  	_ =	shalt  }
0x70: {  	_ =	shalt  }
0x71: {  	_ =	shalt  }
0x72: {  	_ =	shalt  }
0x73: {  	_ =	shalt  }
0x74: {  	_ =	shalt  }
0x75: {  	_ =	shalt  }
0x76: {  	_ =	shalt  }
0x77: {  	_ =	shalt  }
0x78: {  	_ =	shalt  }
0x79: {  	_ =	shalt  }
0x7a: {  	_ =	shalt  }
0x7b: {  	_ =	shalt  }
0x7c: {  	_ =	shalt  }
0x7d: {  	_ =	shalt  }
0x7e: {  	_ =	shalt  }
0x7f: {  	_ =	shalt  }
0x80: {  	_ =	shalt  }
0x81: {  	_ =	shalt  }
0x82: {  	_ =	shalt  }
0x83: {  	_ =	shalt  }
0x84: {  	_ =	shalt  }
0x85: {  	_ =	shalt  }
0x86: {  	_ =	shalt  }
0x87: {  	_ =	shalt  }
.Lfunc_end0:
.L_simem_size_0:
called_computation_lowered:
.L_overlay_start_0:
0x88: {  	s2 =	sld [smem:$0x3FD9]  }
0x89: {  	s3 =	sld [smem:$0x3FFE];
	_ =	sdelay $0x1  }
0x8a: {  	s1 =	srdreg.scid  }
0x8b: {  	s0 =	sand.u32 $0x1, s1  }
0x8c: {  	s17 =	sshll.u32 s0, $0xA;
	s2 =	sadd.s32 s3, s2  }
0x8d: {  	s2 =	sadd.s32 s2, s17  }
0x8e: {  	[smem:$0x3FBC] =	sst s2  }
0x8f: {  	_ = 	snop  }
0x90: {  	s2 =	sld [smem:$0x3FC9];
	(tm) =	ssettm $0x1  }
0x91: {  	s18 =	sld [smem:$0x3FFB];
	_ =	sdelay $0x3  }
0x92: {  	_ =	strace s18  }
0x93: {  	s3 =	sld [smem:$0x3FFC];
	_ =	sdelay $0x3  }
0x94: {  	_ =	strace s3  }
0x95: {  	s3 =	sld [smem:$0x3FFD];
	_ =	sdelay $0x3  }
0x96: {  	_ =	strace s3  }
0x97: {  	_ =	strace $0x8FFFFFFF  }
0x98: {  	s19 =	sld [smem:$0x3FDB];
	_ =	sdelay $0x1  }
0x99: {  	s4 =	simm.s32 $_scs_section_size  }
0x9a: {  	s5 =	simm.s32 $_size__tile_overlayer_lowered;
	s6 =	simm.s32 $_tile_overlayer_lowered  }
0x9b: {  	s22 =	simm.s32 $0x1BFF;
	s21 =	sshll.u32 s6, $0x1;
	s3 =	sadd.s32 s4, s19  }
0x9c: {  	s7 =	simm.s32 $0x0;
	s20 =	sshll.u32 s5, $0x1;
	s5 =	sadd.s32 s21, s3  }
0x9d: {  	[timem:s7], [sflag:s22] =	dma.local [hbm:s5], s20  }
0x9e: {  	_ =	swait.ge [sflag:s22], s20  }
0x9f: {  	s4 =	ssub.s32 $0x0, s20;
	[sflag:s22] =	ssyncset.done $0x0  }
0xa0: {  	[sflag:s22] =	ssyncadd.s32 s4;
	_ =	sdelay $0x1  }
0xa1: {  	s23 =	simm.s32 $0x1B8B  }
0xa2: {  	_ =	swait.ge [sflag:s23], $0x1  }
0xa3: {  	[sflag:s23] =	ssyncset.done $0x0  }
0xa4: {  	s25 =	simm.s32 $0x1B8E;
	s24 =	sld [smem:$0x3FFE];
	[sflag:s23] =	ssyncadd.s32 $0xFFFFFFFF  }
0xa5: {  	s26 =	simm.s32 $execute0_lowered;
	[smem:$0x3FD2] =	sst s25  }
0xa6: {  	s5 =	sshll.u32 s26, $0x1;
	_ =	strace $0x80000046;
	[dreg:$0x1] =	wrdreg $0xFFFFFFFF  }
0xa7: {  	s28 =	simm.s32 $_size_execute0_lowered;
	s3 =	sadd.s32 s3, s5;
	[dreg:$0x0] =	wrdreg $0x0  }
0xa8: {  	s5 =	sshll.u32 s28, $0x1;
	[dreg:$0x2] =	wrdreg s3  }
0xa9: {  	[dreg:$0x3] =	wrdreg s5  }
0xaa: {  	[dreg:$0x4] =	wrdreg $0xC0  }
0xab: {  	_ =	task [dreg:s7], $0x5FFFF  }
0xac: {  	[dreg:$0x1] =	wrdreg $0xFFFFFFFF  }
0xad: {  	[dreg:$0x0] =	wrdreg $0x60  }
0xae: {  	[dreg:$0x2] =	wrdreg s2  }
0xaf: {  	[dreg:$0x3] =	wrdreg s24  }
0xb0: {  	[dreg:$0x4] =	wrdreg $0x73F00  }
0xb1: {  	[dreg:$0x5] =	wrdreg $0x1AC700  }
0xb2: {  	[dreg:$0x6] =	wrdreg $0x9  }
0xb3: {  	_ =	task.clear_ibuf [dreg:s7], $0x7FFFF;
	_ =	strace $0x90000046  }
0xb4: {  	s29 =	simm.s32 $0x9;
	_ =	strace $0x80000048  }
0xb5: {  	_ =	swait.ge [sflag:s29], $0x1  }
0xb6: {  	[sflag:s29] =	ssyncadd.s32 $0xFFFFFFFF  }
0xb7: {  	_ =	strace $0x90000048  }
0xb8: {  	_ =	sfence  }
0xb9: {  	s30 =	sld [smem:$0x0];
	_ =	sdelay $0x2  }
0xba: {  	s31 =	sshll.u32 s1, $0xD;
	s1 =	sshrl.u32 s1, $0x2  }
0xbb: {  	s3 =	sand.u32 $0x4000, s31;
	s1 =	sadd.s32 s1, s30  }
0xbc: {  	s0 =	sor.u32 s3, s0;
	s1 =	sshll.u32 s1, $0x11  }
0xbd: {  	s0 =	sor.u32 s1, s0  }
0xbe: {  	s0 =	sadd.s32 $0x8F2B, s0  }
0xbf: {  	[sflag:s0] =	ssyncadd.remote.s32 $0x1  }
0xc0: {  	_ =	sfence.sel $0xFFFF  }
0xc1: {  	[dreg:$0x0] =	wrdreg $0xFFFFFFFF;
	(pc) =	sbr.abs _section_cstart, $3  }
0xc2: {  	[dreg:$0x1] =	wrdreg $0xFFFFFFFF  }
0xc3: {  	_ =	task.clear_ibuf [dreg:s7], $0x2FFFF;
	_ =	strace $0x9FFFFFFF  }
0xc4: {  	(tm) =	ssettm $0x7FFFFFFF  }
0xc5: {  	_ =	shalt  }
tec
execute0_lowered:
.L_overlay_start_1:
0x0: {  	(tag) =	ssettag $0x1  }
0x1: {  	s0 =	rddreg [dreg:$0x0]  }
0x2: {  	s1 =	rddreg [dreg:$0x1]  }
0x3: {  	s2 =	srdreg.scid;
	s11 =	stileid.u32  }
0x4: {  	s3 =	rddreg [dreg:$0x2];
	s7 =	smul.u32 $0x2710, s11  }
0x5: {  	s4 =	rddreg [dreg:$0x3];
	s5 =	simm.s32 $0x0;
	s8 =	smul.u32 $0x271, s11  }
0x6: {  	s30 =	simm.s32 $0x28A0;
	s31 =	simm.s32 $0x2;
	s22 =	smul.u32 $0x4E200, s11  }
0x7: {  	s2 =	sand.u32 $0x1, s2;
	[smem:$0x7FF] =	sst s5;
	s11 =	smul.u32 $0x9C40, s11  }
0x8: {  	s10 =	sadd.s32 $0x20200, s1;
	s6 =	smul.u32 $0x27100, s2;
	s23 =	ssub.s32 $0x2, s2  }
0x9: {  	_ =	strace $0x80000047;
	s2 =	smul.u32 $0x2710, s2;
	s12 =	sshrl.u32 s23, $0x1  }
0xa: {  	s24 =	sshrl.u32 s11, $0x2;
	s25 =	sadd.s32 $0x7D, s8;
	s17 =	sadd.s32 $0xFA, s8  }
0xb: {  	s6 =	sadd.s32 s7, s6;
	s12 =	ssub.s32 s23, s12;
	s7 =	sadd.s32 s24, s4  }
0xc: {  	s2 =	sadd.s32 s8, s2;
	s13 =	sshll.u32 s25, $0x7;
	s11 =	sshll.u32 s25, $0x4  }
0xd: {  	s23 =	sshll.u32 s17, $0x7;
	s24 =	sshll.u32 s17, $0x4;
	s6 =	sshrl.u32 s6, $0x3  }
0xe: {  	s16 =	sadd.s32 $0x7D, s2;
	s14 =	sshll.u32 s2, $0x4;
	s18 =	sadd.s32 $0xFA, s2  }
0xf: {  	s19 =	sadd.s32 $0x177, s2;
	s20 =	sadd.s32 $0x1F4, s2;
	s13 =	sadd.s32 s13, s3  }
0x10: {  	s2 =	sshll.u32 s2, $0x1;
	s9 =	sadd.s32 s6, s1;
	s1 =	sadd.s32 $0x16400, s1  }
0x11: {  	s6 =	sshrl.u32 s22, $0x2;
	s15 =	sshll.u32 s16, $0x4;
	s14 =	sadd.s32 s10, s14  }
0x12: {  	s21 =	sshll.u32 s19, $0x4;
	s22 =	sshll.u32 s20, $0x4;
	s25 =	sshll.u32 s16, $0x1  }
0x13: {  	s16 =	sshll.u32 s19, $0x1;
	s17 =	sshll.u32 s20, $0x1;
	s19 =	sadd.s32 $0x1F4, s8  }
0x14: {  	s6 =	sadd.s32 s6, s3;
	[dreg:$0x5] =	wrdreg s14;
	s26 =	sadd.s32 s10, s15  }
0x15: {  	s15 =	sshll.u32 s18, $0x4;
	s2 =	sadd.s32 s1, s2;
	s20 =	sadd.s32 s1, s17  }
0x16: {  	s28 =	sadd.s32 $0x2800, s9;
	s29 =	sadd.s32 $0xC600, s9;
	[dreg:$0x6] =	wrdreg s26  }
0x17: {  	s9 =	simm.s32 $0x1;
	s14 =	sadd.s32 s10, s15;
	[dreg:$0xa] =	wrdreg s2  }
0x18: {  	s15 =	sadd.s32 s23, s3;
	s26 =	sadd.s32 s1, s25;
	[dreg:$0x7] =	wrdreg s14  }
0x19: {  	s25 =	sshll.u32 s19, $0x7;
	s14 =	sadd.s32 s10, s21;
	[dreg:$0xb] =	wrdreg s26  }
0x1a: {  	s10 =	sadd.s32 s10, s22;
	s21 =	sadd.s32 s24, s4;
	[dreg:$0x8] =	wrdreg s14  }
0x1b: {  	s26 =	sshll.u32 s19, $0x4;
	[dreg:$0x9] =	wrdreg s10;
	s14 =	sadd.s32 s11, s4  }
0x1c: {  	s11 =	sshll.u32 s18, $0x1;
	s18 =	sadd.s32 $0x177, s8;
	s8 =	simm.s32 $0xA0  }
0x1d: {  	s10 =	simm.s32 $0x6720;
	s2 =	sadd.s32 s1, s11;
	s24 =	sshll.u32 s18, $0x7  }
0x1e: {  	s11 =	simm.s32 $0x0;
	[dreg:$0xc] =	wrdreg s2;
	s2 =	sadd.s32 s1, s16  }
0x1f: {  	s22 =	sadd.s32 s24, s3;
	s1 =	sshll.u32 s18, $0x4;
	s24 =	sadd.s32 s25, s3  }
0x20: {  	s25 =	sadd.s32 s26, s4;
	s26 =	smax.u32 s12, $0x1;
	[dreg:$0xd] =	wrdreg s2  }
0x21: {  	v0 =	vimm.f32 $0.0e+00;
	v1 =	vimm.f32 $1.000000000e+00;
	s23 =	sadd.s32 s1, s4;
	s2 =	simm.s32 $0x6C20;
	s1 =	simm.s32 $0x50  }
.LBB2_1:
0x22: {  	s12 =	simm.s32 $0x0;
	s16 =	simm.s32 $0x200  }
.LBB2_2:
0x23: {  	p0 =	sne.s32 s16, $0xF800;
	[tilespmem:s12+$0x2910] =	vst v0  }
0x24: {  	[tilespmem:s12+$0x28A0] =	vst v0  }
0x25: {  	[tilespmem:s12+$0x28B0] =	vst v0  }
.Ltmp0:
0x26: {  	[tilespmem:s12+$0x28C0] =	vst v0;
	(pc) =	sbr.rel @p0 .LBB2_2-.Ltmp0, $4  }
0x27: {  	[tilespmem:s12+$0x28D0] =	vst v0  }
0x28: {  	[tilespmem:s12+$0x28E0] =	vst v0  }
0x29: {  	[tilespmem:s12+$0x28F0] =	vst v0  }
0x2a: {  	[tilespmem:s12+$0x2900] =	vst v0;
	s12 =	sshra.s32 s16, $0x2;
	s16 =	sadd.s32 $0x200, s16  }
0x2b: {  	[tilespmem:s12+$0x2910] =	vst v0  }
0x2c: {  	[tilespmem:s12+$0x28A0] =	vst v0  }
0x2d: {  	[tilespmem:s12+$0x28B0] =	vst v0  }
0x2e: {  	[tilespmem:s12+$0x28C0] =	vst v0  }
0x2f: {  	[tilespmem:s12+$0x28D0] =	vst v0  }
0x30: {  	[tilespmem:s12+$0x28E0] =	vst v0  }
0x31: {  	[tilespmem:s12+$0x28F0] =	vst v0  }
0x32: {  	[tilespmem:s12+$0x2900] =	vst v0;
	s12 =	simm.s32 $0x40;
	s16 =	simm.s32 $0x0  }
.LBB2_4:
0x33: {  	p0 =	sne.s32 s12, $0x1F00;
	[tilespmem:s16+$0x6C20] =	vst v0;
	s16 =	smov.u32 s12;
	s12 =	sadd.s32 $0x40, s12  }
.Ltmp1:
0x34: {  	(pc) =	sbr.rel @p0 .LBB2_4-.Ltmp1, $2  }
0x35: {  	_ =	sdelay $0x2  }
0x36: {  	s16 =	sshra.s32 s16, $0x2  }
0x37: {  	[tilespmem:s16+$0x6C20] =	vst v0;
	s12 =	simm.s32 $0x40;
	s16 =	simm.s32 $0x0  }
.LBB2_6:
0x38: {  	p0 =	sne.s32 s12, $0x13C0;
	[tilespmem:s16+$0x6720] =	vst v1;
	s16 =	smov.u32 s12;
	s12 =	sadd.s32 $0x40, s12  }
.Ltmp2:
0x39: {  	(pc) =	sbr.rel @p0 .LBB2_6-.Ltmp2, $2  }
0x3a: {  	_ =	sdelay $0x2  }
0x3b: {  	s16 =	sshra.s32 s16, $0x2  }
0x3c: {  	[tilespmem:s16+$0x6720] =	vst v1  }
0x3d: {  	[spmem:s6] =	stream.linear.scatter [tilespmem:s30], [sflag:$0x2], $0x3E80, $0x38;
	[tilespmem:$0x1D380] =	vst v63  }
0x3e: {  	_ =	swait.ge [sflag:s31], $0x3E80  }
0x3f: {  	[sflag:s31] =	ssyncset.done $0x0  }
0x40: {  	[sflag:s31] =	ssyncadd.s32 $0xFFFFC180  }
0x41: {  	[spmem:s7] =	stream.linear.scatter [tilespmem:s2], [sflag:$0x2], $0x7D0, $0x38;
	[tilespmem:$0x1D380] =	vst v63  }
0x42: {  	_ =	swait.ge [sflag:s31], $0x7D0  }
0x43: {  	[sflag:s31] =	ssyncset.done $0x0  }
0x44: {  	[sflag:s31] =	ssyncadd.s32 $0xFFFFF830  }
0x45: {  	[spmem:s13] =	stream.linear.scatter [tilespmem:s30], [sflag:$0x2], $0x3E80, $0x38;
	[tilespmem:$0x1D380] =	vst v63  }
0x46: {  	_ =	swait.ge [sflag:s31], $0x3E80  }
0x47: {  	[sflag:s31] =	ssyncset.done $0x0  }
0x48: {  	[sflag:s31] =	ssyncadd.s32 $0xFFFFC180  }
0x49: {  	[spmem:s14] =	stream.linear.scatter [tilespmem:s2], [sflag:$0x2], $0x7D0, $0x38;
	[tilespmem:$0x1D380] =	vst v63  }
0x4a: {  	_ =	swait.ge [sflag:s31], $0x7D0  }
0x4b: {  	[sflag:s31] =	ssyncset.done $0x0  }
0x4c: {  	[sflag:s31] =	ssyncadd.s32 $0xFFFFF830  }
0x4d: {  	[spmem:s15] =	stream.linear.scatter [tilespmem:s30], [sflag:$0x2], $0x3E80, $0x38;
	[tilespmem:$0x1D380] =	vst v63  }
0x4e: {  	_ =	swait.ge [sflag:s31], $0x3E80  }
0x4f: {  	[sflag:s31] =	ssyncset.done $0x0  }
0x50: {  	[sflag:s31] =	ssyncadd.s32 $0xFFFFC180  }
0x51: {  	[spmem:s21] =	stream.linear.scatter [tilespmem:s2], [sflag:$0x2], $0x7D0, $0x38;
	[tilespmem:$0x1D380] =	vst v63  }
0x52: {  	_ =	swait.ge [sflag:s31], $0x7D0  }
0x53: {  	[sflag:s31] =	ssyncset.done $0x0  }
0x54: {  	[sflag:s31] =	ssyncadd.s32 $0xFFFFF830  }
0x55: {  	[spmem:s22] =	stream.linear.scatter [tilespmem:s30], [sflag:$0x2], $0x3E80, $0x38;
	[tilespmem:$0x1D380] =	vst v63  }
0x56: {  	_ =	swait.ge [sflag:s31], $0x3E80  }
0x57: {  	[sflag:s31] =	ssyncset.done $0x0  }
0x58: {  	[sflag:s31] =	ssyncadd.s32 $0xFFFFC180  }
0x59: {  	[spmem:s23] =	stream.linear.scatter [tilespmem:s2], [sflag:$0x2], $0x7D0, $0x38;
	[tilespmem:$0x1D380] =	vst v63  }
0x5a: {  	_ =	swait.ge [sflag:s31], $0x7D0  }
0x5b: {  	[sflag:s31] =	ssyncset.done $0x0  }
0x5c: {  	[sflag:s31] =	ssyncadd.s32 $0xFFFFF830  }
0x5d: {  	[spmem:s24] =	stream.linear.scatter [tilespmem:s30], [sflag:$0x2], $0x3E80, $0x38;
	[tilespmem:$0x1D380] =	vst v63  }
0x5e: {  	_ =	swait.ge [sflag:s31], $0x3E80  }
0x5f: {  	[sflag:s31] =	ssyncset.done $0x0  }
0x60: {  	[sflag:s31] =	ssyncadd.s32 $0xFFFFC180  }
0x61: {  	[spmem:s25] =	stream.linear.scatter [tilespmem:s2], [sflag:$0x2], $0x7D0, $0x38;
	[tilespmem:$0x1D380] =	vst v63  }
0x62: {  	_ =	swait.ge [sflag:s31], $0x7D0  }
0x63: {  	[sflag:s31] =	ssyncset.done $0x0  }
0x64: {  	[sflag:s31] =	ssyncadd.s32 $0xFFFFF830  }
0x65: {  	s12 =	sadd.s32 $0x0, s29;
	[bflag:$0x0] =	sbarrier.arrive $0xFFFF  }
0x66: {  	[tilespmem:s5], [sflag:$0x2] =	stream.linear.gather [hbm4b:s12+s5], $0x50, $0x38;
	[tilespmem:$0x1D380] =	vst v63  }
0x67: {  	_ =	swait.ge [sflag:s31], $0x50  }
0x68: {  	[sflag:s31] =	ssyncset.done $0x0  }
0x69: {  	s19 =	sadd.s32 $0x0, s28;
	[sflag:s31] =	ssyncadd.s32 $0xFFFFFFB0  }
0x6a: {  	[tilespmem:s1], [sflag:$0x2] =	stream.linear.gather [hbm4b:s19+s5], $0x50, $0x38;
	[tilespmem:$0x1D380] =	vst v63  }
0x6b: {  	_ =	swait.ge [sflag:s31], $0x50  }
0x6c: {  	[sflag:s31] =	ssyncset.done $0x0  }
0x6d: {  	[sflag:s31] =	ssyncadd.s32 $0xFFFFFFB0  }
0x6e: {  	[tilespmem:s8], [sflag:$0x1] =	stream.indirect.gather [hbm4b:s0+s1], $0x80, s5, s1, $0xb8;
	[tilespmem:$0x1D380] =	vst v63  }
0x6f: {  	_ =	swait.ge [sflag:s9], $0x2800  }
0x70: {  	[sflag:s9] =	ssyncset.done $0x0  }
0x71: {  	[sflag:s9] =	ssyncadd.s32 $0xFFFFD800  }
0x72: {  	[spmem:s3] =	stream.indirect.scatter.add.f32 [tilespmem:s8], [sflag:$0x2], $0x80, s1, s1, $0xb8;
	[tilespmem:$0x1D380] =	vst v63  }
0x73: {  	_ =	swait.ge [sflag:s31], $0x2800  }
0x74: {  	[sflag:s31] =	ssyncset.done $0x0  }
0x75: {  	[sflag:s31] =	ssyncadd.s32 $0xFFFFD800  }
0x76: {  	[spmem:s4] =	stream.indirect.scatter.add.f32 [tilespmem:s10], [sflag:$0x2], $0x10, s1, s1, $0xb8;
	[tilespmem:$0x1D380] =	vst v63  }
0x77: {  	_ =	swait.ge [sflag:s31], $0x500  }
0x78: {  	s16 =	simm.s32 $0x14;
	s12 =	simm.s32 $0xA;
	[sflag:s31] =	ssyncset.done $0x0  }
.LBB2_8:
0x79: {  	s17 =	sadd.s32 s12, s29  }
0x7a: {  	[sflag:s31] =	ssyncadd.s32 $0xFFFFFB00;
	s18 =	smov.u32 s16;
	s19 =	sadd.s32 $0xA, s16  }
0x7b: {  	[tilespmem:s5], [sflag:$0x2] =	stream.linear.gather [hbm4b:s17+s5], $0x50, $0x38;
	[tilespmem:$0x1D380] =	vst v63  }
0x7c: {  	p0 =	sne.s32 s16, $0x4D8;
	_ =	swait.ge [sflag:s31], $0x50  }
0x7d: {  	[sflag:s31] =	ssyncset.done $0x0  }
0x7e: {  	s16 =	sadd.s32 s12, s28;
	s12 =	smov.u32 s18;
	[sflag:s31] =	ssyncadd.s32 $0xFFFFFFB0  }
0x7f: {  	[tilespmem:s1], [sflag:$0x2] =	stream.linear.gather [hbm4b:s16+s5], $0x50, $0x38;
	[tilespmem:$0x1D380] =	vst v63  }
0x80: {  	_ =	swait.ge [sflag:s31], $0x50  }
0x81: {  	[sflag:s31] =	ssyncset.done $0x0  }
0x82: {  	[sflag:s31] =	ssyncadd.s32 $0xFFFFFFB0  }
0x83: {  	[tilespmem:s8], [sflag:$0x1] =	stream.indirect.gather [hbm4b:s0+s1], $0x80, s5, s1, $0xb8;
	[tilespmem:$0x1D380] =	vst v63  }
0x84: {  	_ =	swait.ge [sflag:s9], $0x2800  }
0x85: {  	[sflag:s9] =	ssyncset.done $0x0  }
0x86: {  	[sflag:s9] =	ssyncadd.s32 $0xFFFFD800  }
0x87: {  	[spmem:s3] =	stream.indirect.scatter.add.f32 [tilespmem:s8], [sflag:$0x2], $0x80, s1, s1, $0xb8;
	[tilespmem:$0x1D380] =	vst v63  }
0x88: {  	_ =	swait.ge [sflag:s31], $0x2800  }
.Ltmp3:
0x89: {  	[sflag:s31] =	ssyncset.done $0x0;
	(pc) =	sbr.rel @p0 .LBB2_8-.Ltmp3, $4  }
0x8a: {  	[sflag:s31] =	ssyncadd.s32 $0xFFFFD800  }
0x8b: {  	[spmem:s4] =	stream.indirect.scatter.add.f32 [tilespmem:s10], [sflag:$0x2], $0x10, s1, s1, $0xb8;
	[tilespmem:$0x1D380] =	vst v63  }
0x8c: {  	_ =	swait.ge [sflag:s31], $0x500  }
0x8d: {  	s16 =	smov.u32 s19;
	[sflag:s31] =	ssyncset.done $0x0  }
0x8e: {  	s16 =	sadd.s32 s12, s29;
	[sflag:s31] =	ssyncadd.s32 $0xFFFFFB00  }
0x8f: {  	[tilespmem:s5], [sflag:$0x2] =	stream.linear.gather [hbm4b:s16+s5], $0x50, $0x38;
	[tilespmem:$0x1D380] =	vst v63  }
0x90: {  	_ =	swait.ge [sflag:s31], $0x50  }
0x91: {  	[sflag:s31] =	ssyncset.done $0x0  }
0x92: {  	s18 =	sadd.s32 s12, s28;
	[sflag:s31] =	ssyncadd.s32 $0xFFFFFFB0  }
0x93: {  	[tilespmem:s1], [sflag:$0x2] =	stream.linear.gather [hbm4b:s18+s5], $0x50, $0x38;
	[tilespmem:$0x1D380] =	vst v63  }
0x94: {  	_ =	swait.ge [sflag:s31], $0x50  }
0x95: {  	[sflag:s31] =	ssyncset.done $0x0  }
0x96: {  	[sflag:s31] =	ssyncadd.s32 $0xFFFFFFB0  }
0x97: {  	[tilespmem:s8], [sflag:$0x1] =	stream.indirect.gather [hbm4b:s0+s1], $0x80, s5, s1, $0xb8;
	[tilespmem:$0x1D380] =	vst v63  }
0x98: {  	_ =	swait.ge [sflag:s9], $0x2800  }
0x99: {  	[sflag:s9] =	ssyncset.done $0x0  }
0x9a: {  	[sflag:s9] =	ssyncadd.s32 $0xFFFFD800  }
0x9b: {  	[spmem:s3] =	stream.indirect.scatter.add.f32 [tilespmem:s8], [sflag:$0x2], $0x80, s1, s1, $0xb8;
	[tilespmem:$0x1D380] =	vst v63  }
0x9c: {  	_ =	swait.ge [sflag:s31], $0x2800  }
0x9d: {  	[sflag:s31] =	ssyncset.done $0x0  }
0x9e: {  	[sflag:s31] =	ssyncadd.s32 $0xFFFFD800  }
0x9f: {  	[spmem:s4] =	stream.indirect.scatter.add.f32 [tilespmem:s10], [sflag:$0x2], $0x10, s1, s1, $0xb8;
	[tilespmem:$0x1D380] =	vst v63  }
0xa0: {  	_ =	swait.ge [sflag:s31], $0x500  }
0xa1: {  	[sflag:s31] =	ssyncset.done $0x0  }
0xa2: {  	[sflag:s31] =	ssyncadd.s32 $0xFFFFFB00  }
0xa3: {  	[bflag:$0x0] =	sbarrier.arrive $0xFFFF  }
0xa4: {  	[tilespmem:s30], [sflag:$0x2] =	stream.linear.gather [spmem:s6], $0x3E80, $0x38;
	[tilespmem:$0x1D380] =	vst v63  }
0xa5: {  	_ =	swait.ge [sflag:s31], $0x3E80  }
0xa6: {  	[sflag:s31] =	ssyncset.done $0x0  }
0xa7: {  	s19 =	rddreg [dreg:$0x5];
	[sflag:s31] =	ssyncadd.s32 $0xFFFFC180  }
0xa8: {  	[hbm4b:s19+s5] =	stream.linear.scatter [tilespmem:s30], [sflag:$0x2], $0x3E80, $0x38;
	[tilespmem:$0x1D380] =	vst v63  }
0xa9: {  	_ =	swait.ge [sflag:s31], $0x3E80  }
0xaa: {  	[sflag:s31] =	ssyncset.done $0x0  }
0xab: {  	[sflag:s31] =	ssyncadd.s32 $0xFFFFC180  }
0xac: {  	[tilespmem:s2], [sflag:$0x2] =	stream.linear.gather [spmem:s7], $0x7D0, $0x38;
	[tilespmem:$0x1D380] =	vst v63  }
0xad: {  	_ =	swait.ge [sflag:s31], $0x7D0  }
0xae: {  	[sflag:s31] =	ssyncset.done $0x0  }
0xaf: {  	s16 =	rddreg [dreg:$0xa];
	[sflag:s31] =	ssyncadd.s32 $0xFFFFF830  }
0xb0: {  	[hbm4b:s16+s5] =	stream.linear.scatter [tilespmem:s2], [sflag:$0x2], $0x7D0, $0x38;
	[tilespmem:$0x1D380] =	vst v63  }
0xb1: {  	_ =	swait.ge [sflag:s31], $0x7D0  }
0xb2: {  	[sflag:s31] =	ssyncset.done $0x0  }
0xb3: {  	[sflag:s31] =	ssyncadd.s32 $0xFFFFF830  }
0xb4: {  	[tilespmem:s30], [sflag:$0x2] =	stream.linear.gather [spmem:s13], $0x3E80, $0x38;
	[tilespmem:$0x1D380] =	vst v63  }
0xb5: {  	_ =	swait.ge [sflag:s31], $0x3E80  }
0xb6: {  	[sflag:s31] =	ssyncset.done $0x0  }
0xb7: {  	s17 =	rddreg [dreg:$0x6];
	[sflag:s31] =	ssyncadd.s32 $0xFFFFC180  }
0xb8: {  	[hbm4b:s17+s5] =	stream.linear.scatter [tilespmem:s30], [sflag:$0x2], $0x3E80, $0x38;
	[tilespmem:$0x1D380] =	vst v63  }
0xb9: {  	_ =	swait.ge [sflag:s31], $0x3E80  }
0xba: {  	[sflag:s31] =	ssyncset.done $0x0  }
0xbb: {  	[sflag:s31] =	ssyncadd.s32 $0xFFFFC180  }
0xbc: {  	[tilespmem:s2], [sflag:$0x2] =	stream.linear.gather [spmem:s14], $0x7D0, $0x38;
	[tilespmem:$0x1D380] =	vst v63  }
0xbd: {  	_ =	swait.ge [sflag:s31], $0x7D0  }
0xbe: {  	[sflag:s31] =	ssyncset.done $0x0  }
0xbf: {  	s18 =	rddreg [dreg:$0xb];
	[sflag:s31] =	ssyncadd.s32 $0xFFFFF830  }
0xc0: {  	[hbm4b:s18+s5] =	stream.linear.scatter [tilespmem:s2], [sflag:$0x2], $0x7D0, $0x38;
	[tilespmem:$0x1D380] =	vst v63  }
0xc1: {  	_ =	swait.ge [sflag:s31], $0x7D0  }
0xc2: {  	[sflag:s31] =	ssyncset.done $0x0  }
0xc3: {  	[sflag:s31] =	ssyncadd.s32 $0xFFFFF830  }
0xc4: {  	[tilespmem:s30], [sflag:$0x2] =	stream.linear.gather [spmem:s15], $0x3E80, $0x38;
	[tilespmem:$0x1D380] =	vst v63  }
0xc5: {  	_ =	swait.ge [sflag:s31], $0x3E80  }
0xc6: {  	[sflag:s31] =	ssyncset.done $0x0  }
0xc7: {  	s19 =	rddreg [dreg:$0x7];
	[sflag:s31] =	ssyncadd.s32 $0xFFFFC180  }
0xc8: {  	[hbm4b:s19+s5] =	stream.linear.scatter [tilespmem:s30], [sflag:$0x2], $0x3E80, $0x38;
	[tilespmem:$0x1D380] =	vst v63  }
0xc9: {  	_ =	swait.ge [sflag:s31], $0x3E80  }
0xca: {  	[sflag:s31] =	ssyncset.done $0x0  }
0xcb: {  	[sflag:s31] =	ssyncadd.s32 $0xFFFFC180  }
0xcc: {  	[tilespmem:s2], [sflag:$0x2] =	stream.linear.gather [spmem:s21], $0x7D0, $0x38;
	[tilespmem:$0x1D380] =	vst v63  }
0xcd: {  	_ =	swait.ge [sflag:s31], $0x7D0  }
0xce: {  	[sflag:s31] =	ssyncset.done $0x0  }
0xcf: {  	s16 =	rddreg [dreg:$0xc];
	[sflag:s31] =	ssyncadd.s32 $0xFFFFF830  }
0xd0: {  	[hbm4b:s16+s5] =	stream.linear.scatter [tilespmem:s2], [sflag:$0x2], $0x7D0, $0x38;
	[tilespmem:$0x1D380] =	vst v63  }
0xd1: {  	_ =	swait.ge [sflag:s31], $0x7D0  }
0xd2: {  	[sflag:s31] =	ssyncset.done $0x0  }
0xd3: {  	[sflag:s31] =	ssyncadd.s32 $0xFFFFF830  }
0xd4: {  	[tilespmem:s30], [sflag:$0x2] =	stream.linear.gather [spmem:s22], $0x3E80, $0x38;
	[tilespmem:$0x1D380] =	vst v63  }
0xd5: {  	_ =	swait.ge [sflag:s31], $0x3E80  }
0xd6: {  	[sflag:s31] =	ssyncset.done $0x0  }
0xd7: {  	s17 =	rddreg [dreg:$0x8];
	[sflag:s31] =	ssyncadd.s32 $0xFFFFC180  }
0xd8: {  	[hbm4b:s17+s5] =	stream.linear.scatter [tilespmem:s30], [sflag:$0x2], $0x3E80, $0x38;
	[tilespmem:$0x1D380] =	vst v63  }
0xd9: {  	_ =	swait.ge [sflag:s31], $0x3E80  }
0xda: {  	[sflag:s31] =	ssyncset.done $0x0  }
0xdb: {  	[sflag:s31] =	ssyncadd.s32 $0xFFFFC180  }
0xdc: {  	[tilespmem:s2], [sflag:$0x2] =	stream.linear.gather [spmem:s23], $0x7D0, $0x38;
	[tilespmem:$0x1D380] =	vst v63  }
0xdd: {  	_ =	swait.ge [sflag:s31], $0x7D0  }
0xde: {  	[sflag:s31] =	ssyncset.done $0x0  }
0xdf: {  	s18 =	rddreg [dreg:$0xd];
	[sflag:s31] =	ssyncadd.s32 $0xFFFFF830  }
0xe0: {  	[hbm4b:s18+s5] =	stream.linear.scatter [tilespmem:s2], [sflag:$0x2], $0x7D0, $0x38;
	[tilespmem:$0x1D380] =	vst v63  }
0xe1: {  	_ =	swait.ge [sflag:s31], $0x7D0  }
0xe2: {  	[sflag:s31] =	ssyncset.done $0x0  }
0xe3: {  	[sflag:s31] =	ssyncadd.s32 $0xFFFFF830  }
0xe4: {  	[tilespmem:s30], [sflag:$0x2] =	stream.linear.gather [spmem:s24], $0x3E80, $0x38;
	[tilespmem:$0x1D380] =	vst v63  }
0xe5: {  	_ =	swait.ge [sflag:s31], $0x3E80  }
0xe6: {  	[sflag:s31] =	ssyncset.done $0x0  }
0xe7: {  	s19 =	rddreg [dreg:$0x9];
	[sflag:s31] =	ssyncadd.s32 $0xFFFFC180  }
0xe8: {  	[hbm4b:s19+s5] =	stream.linear.scatter [tilespmem:s30], [sflag:$0x2], $0x3E80, $0x38;
	[tilespmem:$0x1D380] =	vst v63  }
0xe9: {  	_ =	swait.ge [sflag:s31], $0x3E80  }
0xea: {  	[sflag:s31] =	ssyncset.done $0x0  }
0xeb: {  	[sflag:s31] =	ssyncadd.s32 $0xFFFFC180  }
0xec: {  	[tilespmem:s2], [sflag:$0x2] =	stream.linear.gather [spmem:s25], $0x7D0, $0x38;
	[tilespmem:$0x1D380] =	vst v63  }
0xed: {  	s11 =	sadd.s32 $0x1, s11;
	_ =	swait.ge [sflag:s31], $0x7D0  }
0xee: {  	p0 =	sne.s32 s11, s26;
	[sflag:s31] =	ssyncset.done $0x0  }
.Ltmp4:
0xef: {  	[sflag:s31] =	ssyncadd.s32 $0xFFFFF830;
	(pc) =	sbr.rel @p0 .LBB2_1-.Ltmp4, $4  }
0xf0: {  	[hbm4b:s20+s5] =	stream.linear.scatter [tilespmem:s2], [sflag:$0x2], $0x7D0, $0x38;
	[tilespmem:$0x1D380] =	vst v63  }
0xf1: {  	_ =	swait.ge [sflag:s31], $0x7D0  }
0xf2: {  	[sflag:s31] =	ssyncset.done $0x0  }
0xf3: {  	[sflag:s31] =	ssyncadd.s32 $0xFFFFF830  }
0xf4: {  	_ =	sfence.sel $0x180000  }
0xf5: {  	[bflag:$0x0] =	sbarrier.arrive $0xFFFF  }
0xf6: {  	_ =	strace $0x90000047  }
0xf7: {  	s0 =	stileid.u32;
	[bflag:$0x2] =	sbarrier.arrive $0xFFFF  }
0xf8: {  	p0 =	sne.s32 s0, $0x0;
	s0 =	rddreg [dreg:$0x4]  }
0xf9: {  	s0 =	sadd.s32 @!p0 $0x100000, s0  }
0xfa: {  	[sflag:s0] =	ssyncadd.tile.s32 @!p0 $0x1;
	_ =	shalt  }
.Lfunc_end2:
_tile_overlayer_lowered:
.L_overlay_start_2:
0xfb: {  	(tag) =	ssettag $0x2  }
0xfc: {  	s0 =	rddreg [dreg:$0x0];
	s2 =	stileid.u32  }
0xfd: {  	s1 =	rddreg [dreg:$0x1];
	p0 =	sne.s32 s2, $0x0  }
0xfe: {  	s3 =	rddreg [dreg:$0x2];
	[bflag:$0x3] =	sbarrier.arrive $0xFFFF;
	s2 =	simm.s32 @!p0 $0x1C02  }
0xff: {  	[timem:s3], [sflag:s2] =	dma.local @!p0 [hbm:s0], s1  }
0x100: {  	s0 =	simm.s32 @!p0 $0x2  }
0x101: {  	_ =	swait.ge @!p0 [sflag:s0], s1  }
0x102: {  	s1 =	ssub.s32 @!p0 $0x0, s1;
	[sflag:s0] =	ssyncset.done @!p0 $0x0  }
0x103: {  	[sflag:s0] =	ssyncadd.s32 @!p0 s1  }
0x104: {  	[bflag:$0x3] =	sbarrier.arrive $0xFFFF  }
0x105: {  	_ =	shalt  }

// kernel: kernel.9.cloned.1.call-start
scs
__scs_entry_jumppad:
0x0: {  	(pc) =	sbr.rel $0x88, $3  }
0x1: {  	(tag) =	ssettag $0x0;
	lr =	simm.s32 $0x1  }
0x2: {  	[smem:$0x3F95] =	sst lr;
	_ =	strace $0xD0000000  }
0x3: {  	_ = 	snop  }
0x4: {  	_ = 	snop  }
0x5: {  	_ = 	snop  }
0x6: {  	_ = 	snop  }
0x7: {  	_ = 	snop  }
__scs_overlays_trampoline_lowered:
0x8: {  	[smem:$0x3FA4] =	sst s0  }
0x9: {  	[smem:$0x3FA5] =	sst s1  }
0xa: {  	[smem:$0x3FA6] =	sst s2  }
0xb: {  	[smem:$0x3FA7] =	sst s3  }
0xc: {  	[smem:$0x3FA8] =	sst s4  }
0xd: {  	[smem:$0x3FA9] =	sst s5  }
0xe: {  	[smem:$0x3FAA] =	sst s6  }
0xf: {  	[smem:$0x3FAB] =	sst s7  }
0x10: {  	[smem:$0x3FAC] =	sst s8  }
0x11: {  	[smem:$0x3FAD] =	sst s9;
	s0 =	simm.s32 @!p0 $0x0  }
0x12: {  	s1 =	sld [smem:$0x3F93];
	s0 =	simm.s32 @p0 $0x1  }
0x13: {  	[smem:$0x3FAE] =	sst s0;
	s0 =	simm.s32 @!p1 $0x0  }
0x14: {  	s2 =	sld [smem:$0x3F92];
	s0 =	simm.s32 @p1 $0x1  }
0x15: {  	[smem:$0x3FAF] =	sst s0;
	s0 =	simm.s32 @!p2 $0x0  }
0x16: {  	s3 =	sld [smem:$0x3FDB];
	s0 =	simm.s32 @p2 $0x1  }
0x17: {  	s4 =	simm.s32 $0x1BF5;
	[smem:$0x3FB1] =	sst s0  }
0x18: {  	s0 =	sld [smem:$0x3F94];
	_ =	swait.ge [sflag:s4], $0x0  }
0x19: {  	s7 =	sld [smem:$0x3F95]  }
0x1a: {  	s8 =	sadd.s32 $0xFFFFE003, lr  }
0x1b: {  	s9 =	sadd.s32 $0xFFFFFEF7, lr;
	s5 =	simm.s32 $0xFFFFFFFF;
	p2 =	slt.u32 s8, $0xFFFFF086  }
0x1c: {  	p1 =	slt.u32 s9, $0xF7A;
	s5 =	simm.s32 @!p2 $0x0  }
0x1d: {  	s5 =	simm.s32 @p1 $0x1;
	p0 =	seq.s32 s7, s2  }
0x1e: {  	s7 =	smul.u32 @!p0 $0xF7A, s2;
	p2 =	seq.s32 @!p0 s5, $0x0  }
0x1f: {  	s9 =	smul.u32 $0xF7A, s1;
	s8 =	simm.s32 @!p0 $0x1BF5;
	p2 =	por !p2, p0  }
0x20: {  	[sflag:s8] =	ssyncset.s32 @!p0 $0xFFFFF086;
	s6 =	sadd.s32 @!p0 s3, s7;
	s7 =	simm.s32 @!p0 $0x108  }
0x21: {  	s3 =	sadd.s32 s3, s9;
	s6 =	sadd.s32 @!p0 $0x88, s6;
	s7 =	simm.s32 @p2 $0x1082  }
0x22: {  	[simem:s7], [sflag:s8] =	dma.local @!p0 [hbm:s6], $0xF7A  }
0x23: {  	s9 =	sor.u32 $0xD0000000, s2;
	s6 =	simm.s32 $0x108;
	_ =	swait.ge @!p0 [sflag:s8], $0x0  }
0x24: {  	s3 =	sadd.s32 $0x88, s3;
	s6 =	simm.s32 @!p1 $0x1082;
	[sflag:s4] =	ssyncset.s32 $0xFFFFF086  }
0x25: {  	[simem:s6], [sflag:s4] =	dma.local [hbm:s3], $0xF7A  }
0x26: {  	[smem:$0x3F95] =	sst s1;
	(tag) =	ssettag s2;
	_ =	strace s9  }
0x27: {  	s1 =	sld [smem:$0x3FA5]  }
0x28: {  	s2 =	sld [smem:$0x3FA6]  }
0x29: {  	s4 =	sld [smem:$0x3FA8]  }
0x2a: {  	p0 =	seq.s32 s5, $0x0;
	s5 =	sld [smem:$0x3FA9]  }
0x2b: {  	s6 =	sld [smem:$0x3FAA]  }
0x2c: {  	s7 =	sld [smem:$0x3FAB]  }
0x2d: {  	s3 =	simm.s32 $0x108;
	s8 =	sld [smem:$0x3FAC]  }
0x2e: {  	s3 =	simm.s32 @!p0 $0x1082;
	s9 =	sld [smem:$0x3FAD]  }
0x2f: {  	lr =	sadd.s32 s0, s3;
	s0 =	sld [smem:$0x3FA4]  }
0x30: {  	s3 =	sld [smem:$0x3FA7]  }
0x31: {  	[smem:$0x3FB0] =	sst s10  }
0x32: {  	s10 =	sld [smem:$0x3FAE];
	_ =	sdelay $0x3  }
0x33: {  	p0 =	seq.s32 s10, $0x1;
	s10 =	sld [smem:$0x3FB0];
	_ =	sdelay $0x3  }
0x34: {  	[smem:$0x3FB0] =	sst s10  }
0x35: {  	s10 =	sld [smem:$0x3FAF];
	_ =	sdelay $0x3  }
0x36: {  	p1 =	seq.s32 s10, $0x1;
	s10 =	sld [smem:$0x3FB0];
	_ =	sdelay $0x3  }
0x37: {  	[smem:$0x3FB0] =	sst s10  }
0x38: {  	s10 =	sld [smem:$0x3FB1]  }
0x39: {  	_ = 	snop;
	(pc) =	sbr.ind lr, $3  }
0x3a: {  	_ = 	snop  }
0x3b: {  	_ = 	snop  }
0x3c: {  	p2 =	seq.s32 s10, $0x1;
	s10 =	sld [smem:$0x3FB0]  }
0x3d: {  	_ =	shalt  }
0x3e: {  	_ =	shalt  }
0x3f: {  	_ =	shalt  }
0x40: {  	_ =	shalt  }
0x41: {  	_ =	shalt  }
0x42: {  	_ =	shalt  }
0x43: {  	_ =	shalt  }
0x44: {  	_ =	shalt  }
0x45: {  	_ =	shalt  }
0x46: {  	_ =	shalt  }
0x47: {  	_ =	shalt  }
0x48: {  	_ =	shalt  }
0x49: {  	_ =	shalt  }
0x4a: {  	_ =	shalt  }
0x4b: {  	_ =	shalt  }
0x4c: {  	_ =	shalt  }
0x4d: {  	_ =	shalt  }
0x4e: {  	_ =	shalt  }
0x4f: {  	_ =	shalt  }
0x50: {  	_ =	shalt  }
0x51: {  	_ =	shalt  }
0x52: {  	_ =	shalt  }
0x53: {  	_ =	shalt  }
0x54: {  	_ =	shalt  }
0x55: {  	_ =	shalt  }
0x56: {  	_ =	shalt  }
0x57: {  	_ =	shalt  }
0x58: {  	_ =	shalt  }
0x59: {  	_ =	shalt  }
0x5a: {  	_ =	shalt  }
0x5b: {  	_ =	shalt  }
0x5c: {  	_ =	shalt  }
0x5d: {  	_ =	shalt  }
0x5e: {  	_ =	shalt  }
0x5f: {  	_ =	shalt  }
0x60: {  	_ =	shalt  }
0x61: {  	_ =	shalt  }
0x62: {  	_ =	shalt  }
0x63: {  	_ =	shalt  }
0x64: {  	_ =	shalt  }
0x65: {  	_ =	shalt  }
0x66: {  	_ =	shalt  }
0x67: {  	_ =	shalt  }
0x68: {  	_ =	shalt  }
0x69: {  	_ =	shalt  }
0x6a: {  	_ =	shalt  }
0x6b: {  	_ =	shalt  }
0x6c: {  	_ =	shalt  }
0x6d: {  	_ =	shalt  }
0x6e: {  	_ =	shalt  }
0x6f: {  	_ =	shalt  }
0x70: {  	_ =	shalt  }
0x71: {  	_ =	shalt  }
0x72: {  	_ =	shalt  }
0x73: {  	_ =	shalt  }
0x74: {  	_ =	shalt  }
0x75: {  	_ =	shalt  }
0x76: {  	_ =	shalt  }
0x77: {  	_ =	shalt  }
0x78: {  	_ =	shalt  }
0x79: {  	_ =	shalt  }
0x7a: {  	_ =	shalt  }
0x7b: {  	_ =	shalt  }
0x7c: {  	_ =	shalt  }
0x7d: {  	_ =	shalt  }
0x7e: {  	_ =	shalt  }
0x7f: {  	_ =	shalt  }
0x80: {  	_ =	shalt  }
0x81: {  	_ =	shalt  }
0x82: {  	_ =	shalt  }
0x83: {  	_ =	shalt  }
0x84: {  	_ =	shalt  }
0x85: {  	_ =	shalt  }
0x86: {  	_ =	shalt  }
0x87: {  	_ =	shalt  }
.Lfunc_end0:
.L_simem_size_0:
called_computation.1_lowered:
.L_overlay_start_0:
0x88: {  	s2 =	sld [smem:$0x3FD9]  }
0x89: {  	s3 =	sld [smem:$0x3FFE];
	_ =	sdelay $0x1  }
0x8a: {  	s1 =	srdreg.scid  }
0x8b: {  	s0 =	sand.u32 $0x1, s1  }
0x8c: {  	s16 =	sshll.u32 s0, $0xA;
	s2 =	sadd.s32 s3, s2  }
0x8d: {  	s2 =	sadd.s32 s2, s16  }
0x8e: {  	[smem:$0x3FBC] =	sst s2  }
0x8f: {  	_ = 	snop  }
0x90: {  	(tm) =	ssettm $0x1  }
0x91: {  	s17 =	sld [smem:$0x3FFB];
	_ =	sdelay $0x3  }
0x92: {  	_ =	strace s17  }
0x93: {  	s2 =	sld [smem:$0x3FFC];
	_ =	sdelay $0x3  }
0x94: {  	_ =	strace s2  }
0x95: {  	s2 =	sld [smem:$0x3FFD];
	_ =	sdelay $0x3  }
0x96: {  	_ =	strace s2  }
0x97: {  	_ =	strace $0x8FFFFFFF  }
0x98: {  	s18 =	sld [smem:$0x3FDB];
	_ =	sdelay $0x1  }
0x99: {  	s19 =	simm.s32 $_scs_section_size  }
0x9a: {  	s4 =	simm.s32 $_size__tile_overlayer_lowered;
	s5 =	simm.s32 $_tile_overlayer_lowered  }
0x9b: {  	s22 =	simm.s32 $0x1BFF;
	s21 =	sshll.u32 s5, $0x1;
	s2 =	sadd.s32 s19, s18  }
0x9c: {  	s6 =	simm.s32 $0x0;
	s20 =	sshll.u32 s4, $0x1;
	s4 =	sadd.s32 s21, s2  }
0x9d: {  	[timem:s6], [sflag:s22] =	dma.local [hbm:s4], s20  }
0x9e: {  	_ =	swait.ge [sflag:s22], s20  }
0x9f: {  	s3 =	ssub.s32 $0x0, s20;
	[sflag:s22] =	ssyncset.done $0x0  }
0xa0: {  	[sflag:s22] =	ssyncadd.s32 s3;
	_ =	sdelay $0x1  }
0xa1: {  	s23 =	simm.s32 $0x1B8B  }
0xa2: {  	_ =	swait.ge [sflag:s23], $0x1  }
0xa3: {  	[sflag:s23] =	ssyncset.done $0x0  }
0xa4: {  	s25 =	simm.s32 $0x1B8E;
	s24 =	sld [smem:$0x3FFE];
	[sflag:s23] =	ssyncadd.s32 $0xFFFFFFFF  }
0xa5: {  	s26 =	simm.s32 $execute0_lowered;
	[smem:$0x3FD2] =	sst s25  }
0xa6: {  	s4 =	sshll.u32 s26, $0x1;
	_ =	strace $0x80000049;
	[dreg:$0x1] =	wrdreg $0xFFFFFFFF  }
0xa7: {  	s28 =	simm.s32 $_size_execute0_lowered;
	s2 =	sadd.s32 s2, s4;
	[dreg:$0x0] =	wrdreg $0x0  }
0xa8: {  	s4 =	sshll.u32 s28, $0x1;
	[dreg:$0x2] =	wrdreg s2  }
0xa9: {  	[dreg:$0x3] =	wrdreg s4  }
0xaa: {  	[dreg:$0x4] =	wrdreg $0xC0  }
0xab: {  	_ =	task [dreg:s6], $0x5FFFF  }
0xac: {  	[dreg:$0x1] =	wrdreg $0xFFFFFFFF  }
0xad: {  	[dreg:$0x0] =	wrdreg $0x60  }
0xae: {  	[dreg:$0x2] =	wrdreg s24  }
0xaf: {  	[dreg:$0x3] =	wrdreg $0x67200  }
0xb0: {  	[dreg:$0x4] =	wrdreg $0x9  }
0xb1: {  	_ =	task.clear_ibuf [dreg:s6], $0x5FFFF;
	_ =	strace $0x90000049  }
0xb2: {  	s29 =	simm.s32 $0x9;
	_ =	strace $0x8000004B  }
0xb3: {  	_ =	swait.ge [sflag:s29], $0x1  }
0xb4: {  	[sflag:s29] =	ssyncadd.s32 $0xFFFFFFFF  }
0xb5: {  	_ =	strace $0x9000004B  }
0xb6: {  	_ =	sfence  }
0xb7: {  	s30 =	sld [smem:$0x0];
	_ =	sdelay $0x2  }
0xb8: {  	s31 =	sshll.u32 s1, $0xD;
	s1 =	sshrl.u32 s1, $0x2  }
0xb9: {  	s3 =	sand.u32 $0x4000, s31;
	s1 =	sadd.s32 s1, s30  }
0xba: {  	s0 =	sor.u32 s3, s0;
	s1 =	sshll.u32 s1, $0x11  }
0xbb: {  	s0 =	sor.u32 s1, s0  }
0xbc: {  	s0 =	sadd.s32 $0x8F2B, s0  }
0xbd: {  	[sflag:s0] =	ssyncadd.remote.s32 $0x1  }
0xbe: {  	_ =	sfence.sel $0xFFFF  }
0xbf: {  	[dreg:$0x0] =	wrdreg $0xFFFFFFFF;
	(pc) =	sbr.abs _section_cstart, $3  }
0xc0: {  	[dreg:$0x1] =	wrdreg $0xFFFFFFFF  }
0xc1: {  	_ =	task.clear_ibuf [dreg:s6], $0x2FFFF;
	_ =	strace $0x9FFFFFFF  }
0xc2: {  	(tm) =	ssettm $0x7FFFFFFF  }
0xc3: {  	_ =	shalt  }
tec
execute0_lowered:
.L_overlay_start_1:
0x0: {  	(tag) =	ssettag $0x1  }
0x1: {  	s5 =	rddreg [dreg:$0x0];
	s0 =	srdreg.scid  }
0x2: {  	s2 =	rddreg [dreg:$0x1];
	s1 =	stileid.u32;
	s3 =	simm.s32 $0x0  }
0x3: {  	s18 =	simm.s32 $0x28A0;
	s19 =	simm.s32 $0x2;
	s7 =	smul.u32 $0x2710, s1  }
0x4: {  	s20 =	simm.s32 $0x50;
	s21 =	simm.s32 $0xA0;
	s8 =	smul.u32 $0x271, s1  }
0x5: {  	s22 =	simm.s32 $0x1;
	s6 =	sand.u32 $0x1, s0;
	s10 =	smul.u32 $0x4E200, s1  }
0x6: {  	s23 =	simm.s32 $0x0;
	s0 =	rddreg [dreg:$0x2];
	s4 =	smul.u32 $0x27100, s6  }
0x7: {  	[smem:$0x7FF] =	sst s3;
	s9 =	smul.u32 $0x2710, s6;
	s6 =	ssub.s32 $0x2, s6  }
0x8: {  	_ =	strace $0x8000004A;
	s30 =	sshrl.u32 s6, $0x1;
	s7 =	sadd.s32 s7, s4  }
0x9: {  	s31 =	sshrl.u32 s10, $0x2;
	s29 =	sadd.s32 s8, s9;
	s7 =	sshrl.u32 s7, $0x3  }
0xa: {  	s15 =	ssub.s32 s6, s30;
	s17 =	sadd.s32 s7, s5;
	s7 =	sshll.u32 s29, $0x4  }
0xb: {  	s4 =	sadd.s32 $0x16400, s5;
	s15 =	smax.u32 s15, $0x1;
	s14 =	sadd.s32 s7, s5  }
0xc: {  	s5 =	sadd.s32 s31, s2;
	s16 =	sadd.s32 $0x2800, s17;
	s17 =	sadd.s32 $0xC600, s17  }
0xd: {  	s6 =	sadd.s32 $0x3E80, s5;
	s7 =	sadd.s32 $0x7D00, s5;
	s8 =	sadd.s32 $0xBB80, s5  }
0xe: {  	s9 =	sadd.s32 $0xFA00, s5;
	s10 =	sadd.s32 $0xBC600, s14;
	s11 =	sadd.s32 $0xBCDD0, s14  }
0xf: {  	v0 =	vimm.f32 $0.0e+00;
	s12 =	sadd.s32 $0xBD5A0, s14;
	s13 =	sadd.s32 $0xBDD70, s14;
	s14 =	sadd.s32 $0xBE540, s14  }
.LBB2_1:
0x10: {  	s24 =	simm.s32 $0x0;
	s25 =	simm.s32 $0x200  }
.LBB2_2:
0x11: {  	p0 =	sne.s32 s25, $0xF800;
	[tilespmem:s24+$0x2910] =	vst v0  }
0x12: {  	[tilespmem:s24+$0x28A0] =	vst v0  }
0x13: {  	[tilespmem:s24+$0x28B0] =	vst v0  }
.Ltmp0:
0x14: {  	[tilespmem:s24+$0x28C0] =	vst v0;
	(pc) =	sbr.rel @p0 .LBB2_2-.Ltmp0, $4  }
0x15: {  	[tilespmem:s24+$0x28D0] =	vst v0  }
0x16: {  	[tilespmem:s24+$0x28E0] =	vst v0  }
0x17: {  	[tilespmem:s24+$0x28F0] =	vst v0  }
0x18: {  	[tilespmem:s24+$0x2900] =	vst v0;
	s24 =	sshra.s32 s25, $0x2;
	s25 =	sadd.s32 $0x200, s25  }
0x19: {  	[tilespmem:s24+$0x2910] =	vst v0  }
0x1a: {  	[tilespmem:s24+$0x28A0] =	vst v0  }
0x1b: {  	[tilespmem:s24+$0x28B0] =	vst v0  }
0x1c: {  	[tilespmem:s24+$0x28C0] =	vst v0  }
0x1d: {  	[tilespmem:s24+$0x28D0] =	vst v0  }
0x1e: {  	[tilespmem:s24+$0x28E0] =	vst v0  }
0x1f: {  	[tilespmem:s24+$0x28F0] =	vst v0  }
0x20: {  	[tilespmem:s24+$0x2900] =	vst v0  }
0x21: {  	[spmem:s5] =	stream.linear.scatter [tilespmem:s18], [sflag:$0x2], $0x3E80, $0x38;
	[tilespmem:$0x19FA0] =	vst v63  }
0x22: {  	_ =	swait.ge [sflag:s19], $0x3E80  }
0x23: {  	[sflag:s19] =	ssyncset.done $0x0  }
0x24: {  	[sflag:s19] =	ssyncadd.s32 $0xFFFFC180  }
0x25: {  	[spmem:s6] =	stream.linear.scatter [tilespmem:s18], [sflag:$0x2], $0x3E80, $0x38;
	[tilespmem:$0x19FA0] =	vst v63  }
0x26: {  	_ =	swait.ge [sflag:s19], $0x3E80  }
0x27: {  	[sflag:s19] =	ssyncset.done $0x0  }
0x28: {  	[sflag:s19] =	ssyncadd.s32 $0xFFFFC180  }
0x29: {  	[spmem:s7] =	stream.linear.scatter [tilespmem:s18], [sflag:$0x2], $0x3E80, $0x38;
	[tilespmem:$0x19FA0] =	vst v63  }
0x2a: {  	_ =	swait.ge [sflag:s19], $0x3E80  }
0x2b: {  	[sflag:s19] =	ssyncset.done $0x0  }
0x2c: {  	[sflag:s19] =	ssyncadd.s32 $0xFFFFC180  }
0x2d: {  	[spmem:s8] =	stream.linear.scatter [tilespmem:s18], [sflag:$0x2], $0x3E80, $0x38;
	[tilespmem:$0x19FA0] =	vst v63  }
0x2e: {  	_ =	swait.ge [sflag:s19], $0x3E80  }
0x2f: {  	[sflag:s19] =	ssyncset.done $0x0  }
0x30: {  	[sflag:s19] =	ssyncadd.s32 $0xFFFFC180  }
0x31: {  	[spmem:s9] =	stream.linear.scatter [tilespmem:s18], [sflag:$0x2], $0x3E80, $0x38;
	[tilespmem:$0x19FA0] =	vst v63  }
0x32: {  	_ =	swait.ge [sflag:s19], $0x3E80  }
0x33: {  	[sflag:s19] =	ssyncset.done $0x0  }
0x34: {  	[sflag:s19] =	ssyncadd.s32 $0xFFFFC180  }
0x35: {  	s30 =	sadd.s32 $0x0, s17;
	[bflag:$0x0] =	sbarrier.arrive $0xFFFF  }
0x36: {  	[tilespmem:s3], [sflag:$0x2] =	stream.linear.gather [hbm4b:s30+s3], $0x50, $0x38;
	[tilespmem:$0x19FA0] =	vst v63  }
0x37: {  	_ =	swait.ge [sflag:s19], $0x50  }
0x38: {  	[sflag:s19] =	ssyncset.done $0x0  }
0x39: {  	s31 =	sadd.s32 $0x0, s16;
	[sflag:s19] =	ssyncadd.s32 $0xFFFFFFB0  }
0x3a: {  	[tilespmem:s20], [sflag:$0x2] =	stream.linear.gather [hbm4b:s31+s3], $0x50, $0x38;
	[tilespmem:$0x19FA0] =	vst v63  }
0x3b: {  	_ =	swait.ge [sflag:s19], $0x50  }
0x3c: {  	[sflag:s19] =	ssyncset.done $0x0  }
0x3d: {  	[sflag:s19] =	ssyncadd.s32 $0xFFFFFFB0  }
0x3e: {  	[tilespmem:s21], [sflag:$0x1] =	stream.indirect.gather [hbm4b:s4+s20], $0x80, s3, s20, $0xb8;
	[tilespmem:$0x19FA0] =	vst v63  }
0x3f: {  	_ =	swait.ge [sflag:s22], $0x2800  }
0x40: {  	[sflag:s22] =	ssyncset.done $0x0  }
0x41: {  	[sflag:s22] =	ssyncadd.s32 $0xFFFFD800  }
0x42: {  	[spmem:s2] =	stream.indirect.scatter.add.f32 [tilespmem:s21], [sflag:$0x2], $0x80, s20, s20, $0xb8;
	[tilespmem:$0x19FA0] =	vst v63  }
0x43: {  	_ =	swait.ge [sflag:s19], $0x2800  }
0x44: {  	s24 =	simm.s32 $0xA;
	s25 =	simm.s32 $0x14;
	[sflag:s19] =	ssyncset.done $0x0  }
.LBB2_4:
0x45: {  	s26 =	sadd.s32 s24, s17  }
0x46: {  	[sflag:s19] =	ssyncadd.s32 $0xFFFFD800;
	s28 =	smov.u32 s25;
	s29 =	sadd.s32 $0xA, s25  }
0x47: {  	[tilespmem:s3], [sflag:$0x2] =	stream.linear.gather [hbm4b:s26+s3], $0x50, $0x38;
	[tilespmem:$0x19FA0] =	vst v63  }
0x48: {  	p0 =	sne.s32 s25, $0x4D8;
	_ =	swait.ge [sflag:s19], $0x50  }
0x49: {  	[sflag:s19] =	ssyncset.done $0x0  }
0x4a: {  	s25 =	sadd.s32 s24, s16;
	s24 =	smov.u32 s28;
	[sflag:s19] =	ssyncadd.s32 $0xFFFFFFB0  }
0x4b: {  	[tilespmem:s20], [sflag:$0x2] =	stream.linear.gather [hbm4b:s25+s3], $0x50, $0x38;
	[tilespmem:$0x19FA0] =	vst v63  }
0x4c: {  	_ =	swait.ge [sflag:s19], $0x50  }
0x4d: {  	[sflag:s19] =	ssyncset.done $0x0  }
0x4e: {  	[sflag:s19] =	ssyncadd.s32 $0xFFFFFFB0  }
0x4f: {  	[tilespmem:s21], [sflag:$0x1] =	stream.indirect.gather [hbm4b:s4+s20], $0x80, s3, s20, $0xb8;
	[tilespmem:$0x19FA0] =	vst v63  }
0x50: {  	_ =	swait.ge [sflag:s22], $0x2800  }
.Ltmp1:
0x51: {  	[sflag:s22] =	ssyncset.done $0x0;
	(pc) =	sbr.rel @p0 .LBB2_4-.Ltmp1, $4  }
0x52: {  	[sflag:s22] =	ssyncadd.s32 $0xFFFFD800  }
0x53: {  	[spmem:s2] =	stream.indirect.scatter.add.f32 [tilespmem:s21], [sflag:$0x2], $0x80, s20, s20, $0xb8;
	[tilespmem:$0x19FA0] =	vst v63  }
0x54: {  	_ =	swait.ge [sflag:s19], $0x2800  }
0x55: {  	s25 =	smov.u32 s29;
	[sflag:s19] =	ssyncset.done $0x0  }
0x56: {  	s25 =	sadd.s32 s24, s17;
	[sflag:s19] =	ssyncadd.s32 $0xFFFFD800  }
0x57: {  	[tilespmem:s3], [sflag:$0x2] =	stream.linear.gather [hbm4b:s25+s3], $0x50, $0x38;
	[tilespmem:$0x19FA0] =	vst v63  }
0x58: {  	_ =	swait.ge [sflag:s19], $0x50  }
0x59: {  	[sflag:s19] =	ssyncset.done $0x0  }
0x5a: {  	s31 =	sadd.s32 s24, s16;
	[sflag:s19] =	ssyncadd.s32 $0xFFFFFFB0  }
0x5b: {  	[tilespmem:s20], [sflag:$0x2] =	stream.linear.gather [hbm4b:s31+s3], $0x50, $0x38;
	[tilespmem:$0x19FA0] =	vst v63  }
0x5c: {  	_ =	swait.ge [sflag:s19], $0x50  }
0x5d: {  	[sflag:s19] =	ssyncset.done $0x0  }
0x5e: {  	[sflag:s19] =	ssyncadd.s32 $0xFFFFFFB0  }
0x5f: {  	[tilespmem:s21], [sflag:$0x1] =	stream.indirect.gather [hbm4b:s4+s20], $0x80, s3, s20, $0xb8;
	[tilespmem:$0x19FA0] =	vst v63  }
0x60: {  	_ =	swait.ge [sflag:s22], $0x2800  }
0x61: {  	[sflag:s22] =	ssyncset.done $0x0  }
0x62: {  	[sflag:s22] =	ssyncadd.s32 $0xFFFFD800  }
0x63: {  	[spmem:s2] =	stream.indirect.scatter.add.f32 [tilespmem:s21], [sflag:$0x2], $0x80, s20, s20, $0xb8;
	[tilespmem:$0x19FA0] =	vst v63  }
0x64: {  	_ =	swait.ge [sflag:s19], $0x2800  }
0x65: {  	[sflag:s19] =	ssyncset.done $0x0  }
0x66: {  	[sflag:s19] =	ssyncadd.s32 $0xFFFFD800  }
0x67: {  	[bflag:$0x0] =	sbarrier.arrive $0xFFFF  }
0x68: {  	[tilespmem:s18], [sflag:$0x2] =	stream.linear.gather [spmem:s5], $0x3E80, $0x38;
	[tilespmem:$0x19FA0] =	vst v63  }
0x69: {  	_ =	swait.ge [sflag:s19], $0x3E80  }
0x6a: {  	[sflag:s19] =	ssyncset.done $0x0  }
0x6b: {  	[sflag:s19] =	ssyncadd.s32 $0xFFFFC180  }
0x6c: {  	[hbm4b:s10+s3] =	stream.linear.scatter [tilespmem:s18], [sflag:$0x2], $0x3E80, $0x38;
	[tilespmem:$0x19FA0] =	vst v63  }
0x6d: {  	_ =	swait.ge [sflag:s19], $0x3E80  }
0x6e: {  	[sflag:s19] =	ssyncset.done $0x0  }
0x6f: {  	[sflag:s19] =	ssyncadd.s32 $0xFFFFC180  }
0x70: {  	[tilespmem:s18], [sflag:$0x2] =	stream.linear.gather [spmem:s6], $0x3E80, $0x38;
	[tilespmem:$0x19FA0] =	vst v63  }
0x71: {  	_ =	swait.ge [sflag:s19], $0x3E80  }
0x72: {  	[sflag:s19] =	ssyncset.done $0x0  }
0x73: {  	[sflag:s19] =	ssyncadd.s32 $0xFFFFC180  }
0x74: {  	[hbm4b:s11+s3] =	stream.linear.scatter [tilespmem:s18], [sflag:$0x2], $0x3E80, $0x38;
	[tilespmem:$0x19FA0] =	vst v63  }
0x75: {  	_ =	swait.ge [sflag:s19], $0x3E80  }
0x76: {  	[sflag:s19] =	ssyncset.done $0x0  }
0x77: {  	[sflag:s19] =	ssyncadd.s32 $0xFFFFC180  }
0x78: {  	[tilespmem:s18], [sflag:$0x2] =	stream.linear.gather [spmem:s7], $0x3E80, $0x38;
	[tilespmem:$0x19FA0] =	vst v63  }
0x79: {  	_ =	swait.ge [sflag:s19], $0x3E80  }
0x7a: {  	[sflag:s19] =	ssyncset.done $0x0  }
0x7b: {  	[sflag:s19] =	ssyncadd.s32 $0xFFFFC180  }
0x7c: {  	[hbm4b:s12+s3] =	stream.linear.scatter [tilespmem:s18], [sflag:$0x2], $0x3E80, $0x38;
	[tilespmem:$0x19FA0] =	vst v63  }
0x7d: {  	_ =	swait.ge [sflag:s19], $0x3E80  }
0x7e: {  	[sflag:s19] =	ssyncset.done $0x0  }
0x7f: {  	[sflag:s19] =	ssyncadd.s32 $0xFFFFC180  }
0x80: {  	[tilespmem:s18], [sflag:$0x2] =	stream.linear.gather [spmem:s8], $0x3E80, $0x38;
	[tilespmem:$0x19FA0] =	vst v63  }
0x81: {  	_ =	swait.ge [sflag:s19], $0x3E80  }
0x82: {  	[sflag:s19] =	ssyncset.done $0x0  }
0x83: {  	[sflag:s19] =	ssyncadd.s32 $0xFFFFC180  }
0x84: {  	[hbm4b:s13+s3] =	stream.linear.scatter [tilespmem:s18], [sflag:$0x2], $0x3E80, $0x38;
	[tilespmem:$0x19FA0] =	vst v63  }
0x85: {  	_ =	swait.ge [sflag:s19], $0x3E80  }
0x86: {  	[sflag:s19] =	ssyncset.done $0x0  }
0x87: {  	[sflag:s19] =	ssyncadd.s32 $0xFFFFC180  }
0x88: {  	[tilespmem:s18], [sflag:$0x2] =	stream.linear.gather [spmem:s9], $0x3E80, $0x38;
	[tilespmem:$0x19FA0] =	vst v63  }
0x89: {  	s23 =	sadd.s32 $0x1, s23;
	_ =	swait.ge [sflag:s19], $0x3E80  }
0x8a: {  	p0 =	sne.s32 s23, s15;
	[sflag:s19] =	ssyncset.done $0x0  }
.Ltmp2:
0x8b: {  	[sflag:s19] =	ssyncadd.s32 $0xFFFFC180;
	(pc) =	sbr.rel @p0 .LBB2_1-.Ltmp2, $4  }
0x8c: {  	[hbm4b:s14+s3] =	stream.linear.scatter [tilespmem:s18], [sflag:$0x2], $0x3E80, $0x38;
	[tilespmem:$0x19FA0] =	vst v63  }
0x8d: {  	_ =	swait.ge [sflag:s19], $0x3E80  }
0x8e: {  	[sflag:s19] =	ssyncset.done $0x0  }
0x8f: {  	[sflag:s19] =	ssyncadd.s32 $0xFFFFC180  }
0x90: {  	_ =	sfence.sel $0x180000  }
0x91: {  	[bflag:$0x0] =	sbarrier.arrive $0xFFFF  }
0x92: {  	p0 =	sne.s32 s1, $0x0;
	_ =	strace $0x9000004A  }
0x93: {  	s0 =	sadd.s32 @!p0 $0x100000, s0;
	[bflag:$0x2] =	sbarrier.arrive $0xFFFF  }
0x94: {  	[sflag:s0] =	ssyncadd.tile.s32 @!p0 $0x1;
	_ =	shalt  }
.Lfunc_end2:
_tile_overlayer_lowered:
.L_overlay_start_2:
0x95: {  	(tag) =	ssettag $0x2  }
0x96: {  	s0 =	rddreg [dreg:$0x0];
	s2 =	stileid.u32  }
0x97: {  	s1 =	rddreg [dreg:$0x1];
	p0 =	sne.s32 s2, $0x0  }
0x98: {  	s3 =	rddreg [dreg:$0x2];
	[bflag:$0x3] =	sbarrier.arrive $0xFFFF;
	s2 =	simm.s32 @!p0 $0x1C02  }
0x99: {  	[timem:s3], [sflag:s2] =	dma.local @!p0 [hbm:s0], s1  }
0x9a: {  	s0 =	simm.s32 @!p0 $0x2  }
0x9b: {  	_ =	swait.ge @!p0 [sflag:s0], s1  }
0x9c: {  	s1 =	ssub.s32 @!p0 $0x0, s1;
	[sflag:s0] =	ssyncset.done @!p0 $0x0  }
0x9d: {  	[sflag:s0] =	ssyncadd.s32 @!p0 s1  }
0x9e: {  	[bflag:$0x3] =	sbarrier.arrive $0xFFFF  }
0x9f: {  	_ =	shalt  }

</sc_bundles>
